<compile_context>
chip_gen: v7x
topology: tpu7x:2x2x1
jax: 0.10.2.dev20260603
libtpu: 0.0.44.dev20260713+nightly
codegen_flags: <defaults>
</compile_context>

<pallas_src>
import jax
import jax.numpy as jnp
from jax import lax
from jax.experimental import pallas as pl
from jax.experimental.pallas import tpu as pltpu
from jax.experimental.pallas import tpu_sc as plsc

N = 10000
E = 320000
D = 128
NC = 2
NS = 16
NW = NC * NS
C = 128
CH0 = 120
CH1 = 40
E_PAD = NS * (CH0 + CH1) * C
EW = E_PAD // NW
N_PAD = 10112
ROWS_T = N_PAD // NS
HR = 128
HRU = 80
BM = 400


def _sc_mesh():
    return plsc.VectorSubcoreMesh(core_axis_name="c", subcore_axis_name="s")



def _deg_body(cols_hbm, iota_hbm, zeros_hbm, deg_out,
              idx_v, iota_v, hist, deg_sh):
    c = lax.axis_index("c")
    s = lax.axis_index("s")
    w = c * NS + s
    pltpu.sync_copy(zeros_hbm.at[pl.ds(0, HR // NS)],
                    deg_sh.at[pl.ds(s * (HR // NS), HR // NS)])
    pltpu.sync_copy(zeros_hbm, hist)
    pltpu.sync_copy(iota_hbm, iota_v)
    pltpu.sync_copy(cols_hbm.at[w], idx_v)
    plsc.subcore_barrier()

    ones16 = jnp.ones((16,), jnp.float32)

    def step(i, carry):
        v = idx_v[pl.ds(i * 16, 16)]
        plsc.addupdate_scatter(hist, [v >> 7, v & 127], ones16)
        return carry

    lax.fori_loop(0, EW // 16, step, 0)
    pltpu.sync_copy(hist.at[pl.ds(0, HRU)], deg_sh.at[iota_v], add=True)
    plsc.subcore_barrier()

    rt = HR // NS
    pltpu.sync_copy(deg_sh.at[pl.ds(s * rt, rt)],
                    deg_out.at[c, pl.ds(s * rt, rt)])


def _deg_kernel(cols_r, iota, zeros128):
    f = pl.kernel(
        _deg_body,
        out_type=jax.ShapeDtypeStruct((NC, HR, 128), jnp.float32),
        mesh=_sc_mesh(),
        scratch_types=(
            pltpu.VMEM((EW,), jnp.int32),
            pltpu.VMEM((HRU,), jnp.int32),
            pltpu.VMEM((HR, 128), jnp.float32),
            pltpu.VMEM_SHARED((HR, 128), jnp.float32),
        ),
        compiler_params=pltpu.CompilerParams(needs_layout_passes=False),
    )
    return f(cols_r, iota, zeros128)



def _mm_body(x_ref, w_ref, d0_ref, d1_ref, y_ref):
    xw = jnp.dot(x_ref[...], w_ref[...], preferred_element_type=jnp.float32)
    deg = d0_ref[...] + d1_ref[...] + 1.0
    y_ref[...] = xw * lax.rsqrt(deg)


def _mm(x, W, deg0, deg1):
    return pl.pallas_call(
        _mm_body,
        grid=(N // BM,),
        in_specs=[
            pl.BlockSpec((BM, D), lambda i: (i, 0)),
            pl.BlockSpec((D, D), lambda i: (0, 0)),
            pl.BlockSpec((BM, 1), lambda i: (i, 0)),
            pl.BlockSpec((BM, 1), lambda i: (i, 0)),
        ],
        out_specs=pl.BlockSpec((BM, D), lambda i: (i, 0)),
        out_shape=jax.ShapeDtypeStruct((N, D), jnp.float32),
    )(x, W, deg0, deg1)



def _acc_body(y_hbm, rows_hbm, cols_hbm, zeros_hbm, acc_out,
              rows_v, cv0, cv1, cv2, cv3, buf0, buf1,
              g0, g1, ic0, ic1, ic2, ic3, acc_sh):
    c = lax.axis_index("c")
    s = lax.axis_index("s")
    pltpu.sync_copy(zeros_hbm, acc_sh.at[pl.ds(s * ROWS_T, ROWS_T)])
    ch = jnp.where(c == 0, CH0, CH1)
    base = c * (NS * CH0) + s * ch

    @pl.when(c == 0)
    def _():
        pltpu.sync_copy(rows_hbm.at[pl.ds(s * CH0, CH0)],
                        rows_v.at[pl.ds(0, CH0)])

    @pl.when(c == 1)
    def _():
        pltpu.sync_copy(rows_hbm.at[pl.ds(NS * CH0 + s * CH1, CH1)],
                        rows_v.at[pl.ds(0, CH1)])

    plsc.subcore_barrier()

    cvs = (cv0, cv1, cv2, cv3)
    ics = (ic0, ic1, ic2, ic3)
    bufs = (buf0, buf1)
    gs = (g0, g1)
    for v in range(4):
        pltpu.async_copy(cols_hbm.at[base + v], cvs[v], ics[v])
    pltpu.async_copy(y_hbm.at[rows_v.at[0]], buf0, g0)
    pltpu.async_copy(y_hbm.at[rows_v.at[1]], buf1, g1)

    def step(u, carry):
        for v in range(4):
            j = 4 * u + v
            b = v % 2
            pltpu.make_async_copy(y_hbm.at[rows_v.at[j]], bufs[b], gs[b]).wait()
            pltpu.make_async_copy(cols_hbm.at[base + j], cvs[v], ics[v]).wait()
            pltpu.sync_copy(bufs[b], acc_sh.at[cvs[v]], add=True)

            @pl.when(j + 4 < ch)
            def _():
                pltpu.async_copy(cols_hbm.at[base + j + 4], cvs[v], ics[v])

            @pl.when(j + 2 < ch)
            def _():
                pltpu.async_copy(y_hbm.at[rows_v.at[j + 2]], bufs[b], gs[b])

        return carry

    lax.fori_loop(0, ch // 4, step, 0)
    plsc.subcore_barrier()

    sl = pl.ds(s * ROWS_T, ROWS_T)
    pltpu.sync_copy(acc_sh.at[sl], acc_out.at[c, sl])


def _acc_kernel(y, rows_r, cols_r, zeros):
    f = pl.kernel(
        _acc_body,
        out_type=jax.ShapeDtypeStruct((NC, N_PAD, D), jnp.float32),
        mesh=_sc_mesh(),
        scratch_types=(
            pltpu.VMEM((CH0, C), jnp.int32),
            pltpu.VMEM((C,), jnp.int32),
            pltpu.VMEM((C,), jnp.int32),
            pltpu.VMEM((C,), jnp.int32),
            pltpu.VMEM((C,), jnp.int32),
            pltpu.VMEM((C, D), jnp.float32),
            pltpu.VMEM((C, D), jnp.float32),
            pltpu.SemaphoreType.DMA,
            pltpu.SemaphoreType.DMA,
            pltpu.SemaphoreType.DMA,
            pltpu.SemaphoreType.DMA,
            pltpu.SemaphoreType.DMA,
            pltpu.SemaphoreType.DMA,
            pltpu.VMEM_SHARED((N_PAD, D), jnp.float32),
        ),
    )
    return f(y, rows_r, cols_r, zeros)



def _fin_body(a0_ref, a1_ref, y_ref, d0_ref, d1_ref, b_ref, o_ref):
    deg = d0_ref[...] + d1_ref[...] + 1.0
    o_ref[...] = lax.rsqrt(deg) * (a0_ref[...] + a1_ref[...] + y_ref[...]) + b_ref[...]


def _combine(acc0, acc1, y, deg0, deg1, b2d):
    return pl.pallas_call(
        _fin_body,
        grid=(N // BM,),
        in_specs=[
            pl.BlockSpec((BM, D), lambda i: (i, 0)),
            pl.BlockSpec((BM, D), lambda i: (i, 0)),
            pl.BlockSpec((BM, D), lambda i: (i, 0)),
            pl.BlockSpec((BM, 1), lambda i: (i, 0)),
            pl.BlockSpec((BM, 1), lambda i: (i, 0)),
            pl.BlockSpec((1, D), lambda i: (0, 0)),
        ],
        out_specs=pl.BlockSpec((BM, D), lambda i: (i, 0)),
        out_shape=jax.ShapeDtypeStruct((N, D), jnp.float32),
    )(acc0, acc1, y, deg0, deg1, b2d)



def kernel(mpg_ft, edge_index, W, b):
    ei = edge_index.astype(jnp.int32)
    pad = E_PAD - E
    rows_p = jnp.concatenate([ei[0], jnp.zeros((pad,), jnp.int32)])
    cols_p = jnp.concatenate(
        [ei[1], N + (jnp.arange(pad, dtype=jnp.int32) % (N_PAD - N))])
    rows_r = rows_p.reshape(E_PAD // C, C)
    cols_r = cols_p.reshape(E_PAD // C, C)

    iota = jnp.arange(HRU, dtype=jnp.int32)
    zeros128 = jnp.zeros((HR, 128), jnp.float32)
    zeros = jnp.zeros((ROWS_T, D), jnp.float32)

    degs = _deg_kernel(cols_p.reshape(NW, EW), iota, zeros128)
    deg0 = degs[0].reshape(HR * 128, 1)[:N]
    deg1 = degs[1].reshape(HR * 128, 1)[:N]
    y = _mm(mpg_ft, W, deg0, deg1)
    accs = _acc_kernel(y, rows_r, cols_r, zeros)
    return _combine(accs[0, :N], accs[1, :N], y, deg0, deg1, b.reshape(1, D))

# --- scband reference (transcript-rebuilt; emitter-appended) ---
"""Pipeline reference for scband-mpg-65979287601499 (READ-ONLY COPY).

The authoritative reference and input builder live on the scoring server;
editing this copy changes nothing except your own understanding.
"""

import jax, jax.numpy as jnp
import numpy as np

N_NODES = 10000
N_EDGES = 320000
IN_DIM = 128
OUT_DIM = 128


def setup_inputs(seed: int = 0) -> dict:
    key = jax.random.key(seed)
    k1, k2, k3 = jax.random.split(key, 3)
    mpg_ft = jax.random.normal(k1, (N_NODES, IN_DIM), dtype=jnp.float32)
    edge_index = jax.random.randint(k2, (2, N_EDGES), 0, N_NODES, dtype=jnp.int64)
    # GCNConv linear weight, glorot init (PyG default), stored as [in, out]
    limit = float(np.sqrt(6.0 / (IN_DIM + OUT_DIM)))
    W = jax.random.uniform(k3, (IN_DIM, OUT_DIM), dtype=jnp.float32, minval=-limit, maxval=limit)
    b = jnp.zeros((OUT_DIM,), dtype=jnp.float32)
    return {"mpg_ft": mpg_ft, "edge_index": edge_index, "W": W, "b": b}


def _gcn_conv(x, edge_index, W, b):
    # Faithful PyG GCNConv: add self-loops, symmetric gcn_norm, linear, scatter-add aggregate, bias.
    N = x.shape[0]
    row = edge_index[0]
    col = edge_index[1]
    loop = jnp.arange(N, dtype=edge_index.dtype)
    row = jnp.concatenate([row, loop])
    col = jnp.concatenate([col, loop])
    ew = jnp.ones(row.shape[0], dtype=x.dtype)
    deg = jnp.zeros((N,), dtype=x.dtype).at[col].add(ew)
    deg_inv_sqrt = jnp.where(deg > 0, deg ** -0.5, 0.0)
    norm = deg_inv_sqrt[row] * ew * deg_inv_sqrt[col]
    xw = x @ W
    msg = xw[row] * norm[:, None]
    out = jnp.zeros((N, W.shape[1]), dtype=x.dtype).at[col].add(msg)
    return out + b


def reference(mpg_ft, edge_index, W, b):
    # MPG.forward with freeze=True, conv=True: x = g.mpg_ft; x = GCNConv(x, g.edge_index)
    x = _gcn_conv(mpg_ft, edge_index, W, b)
    return x

if __name__ == "__main__":
    import jax
    _d = setup_inputs()
    print(jax.jit(kernel)(*tuple(_d.values())))

</pallas_src>

<mosaic_0001>
#map = affine_map<(d0, d1) -> (0, 0)>
#map1 = affine_map<(d0, d1) -> (0)>
#map2 = affine_map<(d0, d1) -> (0, 0, 0)>
module attributes {stable_mosaic.version = 14 : i64} {
  func.func @_deg_body(%arg0: i32, %arg1: i32, %arg2: memref<32x10240xi32, #tpu.memory_space<hbm>>, %arg3: memref<80xi32, #tpu.memory_space<hbm>>, %arg4: memref<128x128xf32, #tpu.memory_space<hbm>>, %arg5: memref<2x128x128xf32, #tpu.memory_space<hbm>>, %arg6: memref<10240xi32, #tpu.memory_space<vmem>>, %arg7: memref<80xi32, #tpu.memory_space<vmem>>, %arg8: memref<128x128xf32, #tpu.memory_space<vmem>>, %arg9: memref<128x128xf32, #tpu.memory_space<vmem_shared>>) attributes {dimension_semantics = [#tpu.dimension_semantics<core_parallel>, #tpu.dimension_semantics<subcore_parallel>], iteration_bounds = array<i64: 2, 16>, scalar_prefetch = 0 : i64, scratch_operands = 4 : i64, tpu.core_type = #tpu.core_type<sc_vector_subcore>, window_params = [{transform_indices = #map}, {transform_indices = #map1}, {transform_indices = #map}, {transform_indices = #map2}]} {
    %mul3A = arith.constant 16 : i32
    %mul3A_0 = arith.muli %arg0, %mul3A : i32
    %add3A = arith.addi %mul3A_0, %arg1 : i32
    %mul3A_1 = arith.constant 8 : i32
    %mul3A_2 = arith.muli %arg1, %mul3A_1 : i32
    "tpu.region"() ({
      %run_scoped3A = tpu.sem_alloc : memref<!tpu.dma_semaphore, #tpu.memory_space<semaphore_mem>>
      %dma_start3A = arith.constant 0 : i32
      %dma_start3A_14 = tpu.memref_slice %arg9[%mul3A_2, %dma_start3A] : memref<128x128xf32, #tpu.memory_space<vmem_shared>> -> memref<8x128xf32, #tpu.memory_space<vmem_shared>>
      %dma_start3A_15 = arith.constant 0 : i32
      %dma_start3A_16 = arith.constant 0 : i32
      %dma_start3A_17 = tpu.memref_slice %arg4[%dma_start3A_15, %dma_start3A_16] : memref<128x128xf32, #tpu.memory_space<hbm>> -> memref<8x128xf32, #tpu.memory_space<hbm>>
      tpu.enqueue_dma source(%dma_start3A_17 : memref<8x128xf32, #tpu.memory_space<hbm>>) target(%dma_start3A_14 : memref<8x128xf32, #tpu.memory_space<vmem_shared>>) target_semaphore(%run_scoped3A : memref<!tpu.dma_semaphore, #tpu.memory_space<semaphore_mem>>)
      %dma_wait3A = arith.constant 0 : i32
      %dma_wait3A_18 = tpu.memref_slice %arg9[%mul3A_2, %dma_wait3A] : memref<128x128xf32, #tpu.memory_space<vmem_shared>> -> memref<8x128xf32, #tpu.memory_space<vmem_shared>>
      %dma_wait3A_19 = arith.constant 0 : i32
      %dma_wait3A_20 = arith.constant 0 : i32
      %dma_wait3A_21 = tpu.memref_slice %arg4[%dma_wait3A_19, %dma_wait3A_20] : memref<128x128xf32, #tpu.memory_space<hbm>> -> memref<8x128xf32, #tpu.memory_space<hbm>>
      tpu.wait_dma2 semaphore(%run_scoped3A : memref<!tpu.dma_semaphore, #tpu.memory_space<semaphore_mem>>) src(%dma_wait3A_21 : memref<8x128xf32, #tpu.memory_space<hbm>>) dst(%dma_wait3A_18 : memref<8x128xf32, #tpu.memory_space<vmem_shared>>)
      tpu.yield
    }) : () -> ()
    "tpu.region"() ({
      %run_scoped3A = tpu.sem_alloc : memref<!tpu.dma_semaphore, #tpu.memory_space<semaphore_mem>>
      tpu.enqueue_dma source(%arg4 : memref<128x128xf32, #tpu.memory_space<hbm>>) target(%arg8 : memref<128x128xf32, #tpu.memory_space<vmem>>) target_semaphore(%run_scoped3A : memref<!tpu.dma_semaphore, #tpu.memory_space<semaphore_mem>>)
      tpu.wait_dma2 semaphore(%run_scoped3A : memref<!tpu.dma_semaphore, #tpu.memory_space<semaphore_mem>>) src(%arg4 : memref<128x128xf32, #tpu.memory_space<hbm>>) dst(%arg8 : memref<128x128xf32, #tpu.memory_space<vmem>>)
      tpu.yield
    }) : () -> ()
    "tpu.region"() ({
      %run_scoped3A = tpu.sem_alloc : memref<!tpu.dma_semaphore, #tpu.memory_space<semaphore_mem>>
      tpu.enqueue_dma source(%arg3 : memref<80xi32, #tpu.memory_space<hbm>>) target(%arg7 : memref<80xi32, #tpu.memory_space<vmem>>) target_semaphore(%run_scoped3A : memref<!tpu.dma_semaphore, #tpu.memory_space<semaphore_mem>>)
      tpu.wait_dma2 semaphore(%run_scoped3A : memref<!tpu.dma_semaphore, #tpu.memory_space<semaphore_mem>>) src(%arg3 : memref<80xi32, #tpu.memory_space<hbm>>) dst(%arg7 : memref<80xi32, #tpu.memory_space<vmem>>)
      tpu.yield
    }) : () -> ()
    "tpu.region"() ({
      %run_scoped3A = tpu.sem_alloc : memref<!tpu.dma_semaphore, #tpu.memory_space<semaphore_mem>>
      %dma_start3A = arith.constant 0 : i32
      %dma_start3A_14 = tpu.memref_slice %arg2[%add3A, %dma_start3A] : memref<32x10240xi32, #tpu.memory_space<hbm>> -> memref<1x10240xi32, #tpu.memory_space<hbm>>
      %dma_start3A_15 = tpu.memref_squeeze %dma_start3A_14 : memref<1x10240xi32, #tpu.memory_space<hbm>> -> memref<10240xi32, #tpu.memory_space<hbm>>
      %dma_start3A_16 = arith.constant 0 : i32
      %dma_start3A_17 = tpu.memref_slice %arg2[%add3A, %dma_start3A_16] : memref<32x10240xi32, #tpu.memory_space<hbm>> -> memref<1x10240xi32, #tpu.memory_space<hbm>>
      %dma_start3A_18 = tpu.memref_squeeze %dma_start3A_17 : memref<1x10240xi32, #tpu.memory_space<hbm>> -> memref<10240xi32, #tpu.memory_space<hbm>>
      tpu.enqueue_dma source(%dma_start3A_18 : memref<10240xi32, #tpu.memory_space<hbm>>) target(%arg6 : memref<10240xi32, #tpu.memory_space<vmem>>) target_semaphore(%run_scoped3A : memref<!tpu.dma_semaphore, #tpu.memory_space<semaphore_mem>>)
      %dma_wait3A = arith.constant 0 : i32
      %dma_wait3A_19 = tpu.memref_slice %arg2[%add3A, %dma_wait3A] : memref<32x10240xi32, #tpu.memory_space<hbm>> -> memref<1x10240xi32, #tpu.memory_space<hbm>>
      %dma_wait3A_20 = tpu.memref_squeeze %dma_wait3A_19 : memref<1x10240xi32, #tpu.memory_space<hbm>> -> memref<10240xi32, #tpu.memory_space<hbm>>
      %dma_wait3A_21 = arith.constant 0 : i32
      %dma_wait3A_22 = tpu.memref_slice %arg2[%add3A, %dma_wait3A_21] : memref<32x10240xi32, #tpu.memory_space<hbm>> -> memref<1x10240xi32, #tpu.memory_space<hbm>>
      %dma_wait3A_23 = tpu.memref_squeeze %dma_wait3A_22 : memref<1x10240xi32, #tpu.memory_space<hbm>> -> memref<10240xi32, #tpu.memory_space<hbm>>
      tpu.wait_dma2 semaphore(%run_scoped3A : memref<!tpu.dma_semaphore, #tpu.memory_space<semaphore_mem>>) src(%dma_wait3A_23 : memref<10240xi32, #tpu.memory_space<hbm>>) dst(%arg6 : memref<10240xi32, #tpu.memory_space<vmem>>)
      tpu.yield
    }) : () -> ()
    %barrier3A = arith.constant 0 : index
    tpu.barrier barrier_id(%barrier3A)
    %broadcast_in_dim3A = arith.constant 1.000000e+00 : f32
    %broadcast_in_dim3A_3 = vector.broadcast %broadcast_in_dim3A : f32 to vector<16xf32>
    %scan3A = arith.constant 0 : i32
    %scan3A_4 = arith.constant 0 : i32
    %scan3A_5 = arith.constant 640 : i32
    %scan3A_6 = arith.addi %scan3A_4, %scan3A_5 : i32
    %scan3A_7 = arith.constant 1 : i32
    scf.for %scan3A_14 = %scan3A_4 to %scan3A_6 step %scan3A_7  : i32 {
      %mul3A_15 = arith.constant 16 : i32
      %mul3A_16 = arith.muli %scan3A_14, %mul3A_15 : i32
      %get3A = arith.index_cast %mul3A_16 : i32 to index
      %get3A_17 = tpu.vector_load %arg6[%get3A] {strides = array<i32>} : memref<10240xi32, #tpu.memory_space<vmem>>, vector<16xi32>,
      %shift_right_arithmetic3A = arith.constant 7 : i32
      %shift_right_arithmetic3A_18 = vector.broadcast %shift_right_arithmetic3A : i32 to vector<16xi32>
      %shift_right_arithmetic3A_19 = arith.shrsi %get3A_17, %shift_right_arithmetic3A_18 : vector<16xi32>
      %and3A = arith.constant 127 : i32
      %and3A_20 = vector.broadcast %and3A : i32 to vector<16xi32>
      %and3A_21 = arith.andi %get3A_17, %and3A_20 : vector<16xi32>
      tpu.vector_store_idx %arg8[%shift_right_arithmetic3A_19, %and3A_21], %broadcast_in_dim3A_3 {add = true} : memref<128x128xf32, #tpu.memory_space<vmem>>[vector<16xi32>, vector<16xi32>], vector<16xf32>,
    }
    %scan3A_8 = arith.constant 640 : i32
    "tpu.region"() ({
      %run_scoped3A = tpu.sem_alloc : memref<!tpu.dma_semaphore, #tpu.memory_space<semaphore_mem>>
      %dma_start3A = arith.constant 0 : i32
      %dma_start3A_14 = arith.constant 0 : i32
      %dma_start3A_15 = tpu.memref_slice %arg8[%dma_start3A, %dma_start3A_14] : memref<128x128xf32, #tpu.memory_space<vmem>> -> memref<80x128xf32, #tpu.memory_space<vmem>>
      %dma_start3A_16 = arith.constant 0 : i32
      %dma_start3A_17 = arith.constant 0 : i32
      %dma_start3A_18 = tpu.memref_slice %arg9[%dma_start3A_16, %dma_start3A_17] : memref<128x128xf32, #tpu.memory_space<vmem_shared>> -> memref<128x128xf32, #tpu.memory_space<vmem_shared>>
      tpu.enqueue_indirect_dma source(%dma_start3A_15 : memref<80x128xf32, #tpu.memory_space<vmem>>) target(%dma_start3A_18 : memref<128x128xf32, #tpu.memory_space<vmem_shared>>) offsets(%arg7 : memref<80xi32, #tpu.memory_space<vmem>>) semaphore(%run_scoped3A : memref<!tpu.dma_semaphore, #tpu.memory_space<semaphore_mem>>) {add = true}
      %dma_wait3A = arith.constant 0 : i32
      %dma_wait3A_19 = arith.constant 0 : i32
      %dma_wait3A_20 = tpu.memref_slice %arg8[%dma_wait3A, %dma_wait3A_19] : memref<128x128xf32, #tpu.memory_space<vmem>> -> memref<80x128xf32, #tpu.memory_space<vmem>>
      %dma_wait3A_21 = arith.constant 0 : i32
      %dma_wait3A_22 = arith.constant 0 : i32
      %dma_wait3A_23 = tpu.memref_slice %arg9[%dma_wait3A_21, %dma_wait3A_22] : memref<128x128xf32, #tpu.memory_space<vmem_shared>> -> memref<128x128xf32, #tpu.memory_space<vmem_shared>>
      tpu.wait_indirect_dma semaphore(%run_scoped3A : memref<!tpu.dma_semaphore, #tpu.memory_space<semaphore_mem>>) src(%dma_wait3A_20 : memref<80x128xf32, #tpu.memory_space<vmem>>) dst(%dma_wait3A_23 : memref<128x128xf32, #tpu.memory_space<vmem_shared>>)
      tpu.yield
    }) : () -> ()
    %barrier3A_9 = arith.constant 0 : index
    tpu.barrier barrier_id(%barrier3A_9)
    %mul3A_10 = arith.constant 8 : i32
    %mul3A_11 = arith.muli %arg1, %mul3A_10 : i32
    %mul3A_12 = arith.constant 8 : i32
    %mul3A_13 = arith.muli %arg1, %mul3A_12 : i32
    "tpu.region"() ({
      %run_scoped3A = tpu.sem_alloc : memref<!tpu.dma_semaphore, #tpu.memory_space<semaphore_mem>>
      %dma_start3A = arith.constant 0 : i32
      %dma_start3A_14 = tpu.memref_slice %arg5[%arg0, %mul3A_13, %dma_start3A] : memref<2x128x128xf32, #tpu.memory_space<hbm>> -> memref<1x8x128xf32, #tpu.memory_space<hbm>>
      %dma_start3A_15 = tpu.memref_squeeze %dma_start3A_14 : memref<1x8x128xf32, #tpu.memory_space<hbm>> -> memref<8x128xf32, #tpu.memory_space<hbm>>
      %dma_start3A_16 = arith.constant 0 : i32
      %dma_start3A_17 = tpu.memref_slice %arg9[%mul3A_11, %dma_start3A_16] : memref<128x128xf32, #tpu.memory_space<vmem_shared>> -> memref<8x128xf32, #tpu.memory_space<vmem_shared>>
      tpu.enqueue_dma source(%dma_start3A_17 : memref<8x128xf32, #tpu.memory_space<vmem_shared>>) target(%dma_start3A_15 : memref<8x128xf32, #tpu.memory_space<hbm>>) target_semaphore(%run_scoped3A : memref<!tpu.dma_semaphore, #tpu.memory_space<semaphore_mem>>)
      %dma_wait3A = arith.constant 0 : i32
      %dma_wait3A_18 = tpu.memref_slice %arg5[%arg0, %mul3A_13, %dma_wait3A] : memref<2x128x128xf32, #tpu.memory_space<hbm>> -> memref<1x8x128xf32, #tpu.memory_space<hbm>>
      %dma_wait3A_19 = tpu.memref_squeeze %dma_wait3A_18 : memref<1x8x128xf32, #tpu.memory_space<hbm>> -> memref<8x128xf32, #tpu.memory_space<hbm>>
      %dma_wait3A_20 = arith.constant 0 : i32
      %dma_wait3A_21 = tpu.memref_slice %arg9[%mul3A_11, %dma_wait3A_20] : memref<128x128xf32, #tpu.memory_space<vmem_shared>> -> memref<8x128xf32, #tpu.memory_space<vmem_shared>>
      tpu.wait_dma2 semaphore(%run_scoped3A : memref<!tpu.dma_semaphore, #tpu.memory_space<semaphore_mem>>) src(%dma_wait3A_21 : memref<8x128xf32, #tpu.memory_space<vmem_shared>>) dst(%dma_wait3A_19 : memref<8x128xf32, #tpu.memory_space<hbm>>)
      tpu.yield
    }) : () -> ()
    return
  }
}

#map = affine_map<(d0, d1) -> (0, 0)>
#map1 = affine_map<(d0, d1) -> (0, 0, 0)>
module attributes {stable_mosaic.version = 14 : i64} {
  func.func @_acc_body(%arg0: i32, %arg1: i32, %arg2: memref<10000x128xf32, #tpu.memory_space<hbm>>, %arg3: memref<2560x128xi32, #tpu.memory_space<hbm>>, %arg4: memref<2560x128xi32, #tpu.memory_space<hbm>>, %arg5: memref<632x128xf32, #tpu.memory_space<hbm>>, %arg6: memref<2x10112x128xf32, #tpu.memory_space<hbm>>, %arg7: memref<120x128xi32, #tpu.memory_space<vmem>>, %arg8: memref<128xi32, #tpu.memory_space<vmem>>, %arg9: memref<128xi32, #tpu.memory_space<vmem>>, %arg10: memref<128xi32, #tpu.memory_space<vmem>>, %arg11: memref<128xi32, #tpu.memory_space<vmem>>, %arg12: memref<128x128xf32, #tpu.memory_space<vmem>>, %arg13: memref<128x128xf32, #tpu.memory_space<vmem>>, %arg14: memref<!tpu.dma_semaphore, #tpu.memory_space<semaphore_mem>>, %arg15: memref<!tpu.dma_semaphore, #tpu.memory_space<semaphore_mem>>, %arg16: memref<!tpu.dma_semaphore, #tpu.memory_space<semaphore_mem>>, %arg17: memref<!tpu.dma_semaphore, #tpu.memory_space<semaphore_mem>>, %arg18: memref<!tpu.dma_semaphore, #tpu.memory_space<semaphore_mem>>, %arg19: memref<!tpu.dma_semaphore, #tpu.memory_space<semaphore_mem>>, %arg20: memref<10112x128xf32, #tpu.memory_space<vmem_shared>>) attributes {dimension_semantics = [#tpu.dimension_semantics<core_parallel>, #tpu.dimension_semantics<subcore_parallel>], iteration_bounds = array<i64: 2, 16>, scalar_prefetch = 0 : i64, scratch_operands = 14 : i64, tpu.core_type = #tpu.core_type<sc_vector_subcore>, window_params = [{transform_indices = #map}, {transform_indices = #map}, {transform_indices = #map}, {transform_indices = #map}, {transform_indices = #map1}]} {
    %mul3A = arith.constant 632 : i32
    %mul3A_0 = arith.muli %arg1, %mul3A : i32
    "tpu.region"() ({
      %run_scoped3A = tpu.sem_alloc : memref<!tpu.dma_semaphore, #tpu.memory_space<semaphore_mem>>
      %dma_start3A_89 = arith.constant 0 : i32
      %dma_start3A_90 = tpu.memref_slice %arg20[%mul3A_0, %dma_start3A_89] : memref<10112x128xf32, #tpu.memory_space<vmem_shared>> -> memref<632x128xf32, #tpu.memory_space<vmem_shared>>
      tpu.enqueue_dma source(%arg5 : memref<632x128xf32, #tpu.memory_space<hbm>>) target(%dma_start3A_90 : memref<632x128xf32, #tpu.memory_space<vmem_shared>>) target_semaphore(%run_scoped3A : memref<!tpu.dma_semaphore, #tpu.memory_space<semaphore_mem>>)
      %dma_wait3A = arith.constant 0 : i32
      %dma_wait3A_91 = tpu.memref_slice %arg20[%mul3A_0, %dma_wait3A] : memref<10112x128xf32, #tpu.memory_space<vmem_shared>> -> memref<632x128xf32, #tpu.memory_space<vmem_shared>>
      tpu.wait_dma2 semaphore(%run_scoped3A : memref<!tpu.dma_semaphore, #tpu.memory_space<semaphore_mem>>) src(%arg5 : memref<632x128xf32, #tpu.memory_space<hbm>>) dst(%dma_wait3A_91 : memref<632x128xf32, #tpu.memory_space<vmem_shared>>)
      tpu.yield
    }) : () -> ()
    %eq3A = arith.constant 0 : i32
    %eq3A_1 = arith.cmpi eq, %arg0, %eq3A : i32
    %jit3A = arith.constant 120 : i32
    %jit3A_2 = arith.constant 40 : i32
    %select_n3A = arith.select %eq3A_1, %jit3A, %jit3A_2 : i32
    %mul3A_3 = arith.constant 1920 : i32
    %mul3A_4 = arith.muli %arg0, %mul3A_3 : i32
    %mul3A_5 = arith.muli %arg1, %select_n3A : i32
    %add3A = arith.addi %mul3A_4, %mul3A_5 : i32
    %eq3A_6 = arith.constant 0 : i32
    %eq3A_7 = arith.cmpi eq, %arg0, %eq3A_6 : i32
    %convert_element_type3A = arith.extui %eq3A_7 : i1 to i32
    %cond3A = arith.constant 0 : i32
    %cond3A_8 = arith.cmpi ne, %convert_element_type3A, %cond3A : i32
    scf.if %cond3A_8 {
      %mul3A_89 = arith.constant 120 : i32
      %mul3A_90 = arith.muli %arg1, %mul3A_89 : i32
      "tpu.region"() ({
        %run_scoped3A = tpu.sem_alloc : memref<!tpu.dma_semaphore, #tpu.memory_space<semaphore_mem>>
        %dma_start3A_91 = arith.constant 0 : i32
        %dma_start3A_92 = arith.constant 0 : i32
        %dma_start3A_93 = tpu.memref_slice %arg7[%dma_start3A_91, %dma_start3A_92] : memref<120x128xi32, #tpu.memory_space<vmem>> -> memref<120x128xi32, #tpu.memory_space<vmem>>
        %dma_start3A_94 = arith.constant 0 : i32
        %dma_start3A_95 = tpu.memref_slice %arg3[%mul3A_90, %dma_start3A_94] : memref<2560x128xi32, #tpu.memory_space<hbm>> -> memref<120x128xi32, #tpu.memory_space<hbm>>
        %dma_start3A_96 = arith.constant 0 : i32
        %dma_start3A_97 = arith.constant 0 : i32
        %dma_start3A_98 = tpu.memref_slice %arg7[%dma_start3A_96, %dma_start3A_97] : memref<120x128xi32, #tpu.memory_space<vmem>> -> memref<120x128xi32, #tpu.memory_space<vmem>>
        %dma_start3A_99 = arith.constant 0 : i32
        %dma_start3A_100 = tpu.memref_slice %arg3[%mul3A_90, %dma_start3A_99] : memref<2560x128xi32, #tpu.memory_space<hbm>> -> memref<120x128xi32, #tpu.memory_space<hbm>>
        tpu.enqueue_dma source(%dma_start3A_100 : memref<120x128xi32, #tpu.memory_space<hbm>>) target(%dma_start3A_98 : memref<120x128xi32, #tpu.memory_space<vmem>>) target_semaphore(%run_scoped3A : memref<!tpu.dma_semaphore, #tpu.memory_space<semaphore_mem>>)
        %dma_wait3A = arith.constant 0 : i32
        %dma_wait3A_101 = arith.constant 0 : i32
        %dma_wait3A_102 = tpu.memref_slice %arg7[%dma_wait3A, %dma_wait3A_101] : memref<120x128xi32, #tpu.memory_space<vmem>> -> memref<120x128xi32, #tpu.memory_space<vmem>>
        %dma_wait3A_103 = arith.constant 0 : i32
        %dma_wait3A_104 = tpu.memref_slice %arg3[%mul3A_90, %dma_wait3A_103] : memref<2560x128xi32, #tpu.memory_space<hbm>> -> memref<120x128xi32, #tpu.memory_space<hbm>>
        %dma_wait3A_105 = arith.constant 0 : i32
        %dma_wait3A_106 = arith.constant 0 : i32
        %dma_wait3A_107 = tpu.memref_slice %arg7[%dma_wait3A_105, %dma_wait3A_106] : memref<120x128xi32, #tpu.memory_space<vmem>> -> memref<120x128xi32, #tpu.memory_space<vmem>>
        %dma_wait3A_108 = arith.constant 0 : i32
        %dma_wait3A_109 = tpu.memref_slice %arg3[%mul3A_90, %dma_wait3A_108] : memref<2560x128xi32, #tpu.memory_space<hbm>> -> memref<120x128xi32, #tpu.memory_space<hbm>>
        tpu.wait_dma2 semaphore(%run_scoped3A : memref<!tpu.dma_semaphore, #tpu.memory_space<semaphore_mem>>) src(%dma_wait3A_109 : memref<120x128xi32, #tpu.memory_space<hbm>>) dst(%dma_wait3A_107 : memref<120x128xi32, #tpu.memory_space<vmem>>)
        tpu.yield
      }) : () -> ()
    } else {
    }
    %eq3A_9 = arith.constant 1 : i32
    %eq3A_10 = arith.cmpi eq, %arg0, %eq3A_9 : i32
    %convert_element_type3A_11 = arith.extui %eq3A_10 : i1 to i32
    %cond3A_12 = arith.constant 0 : i32
    %cond3A_13 = arith.cmpi ne, %convert_element_type3A_11, %cond3A_12 : i32
    scf.if %cond3A_13 {
      %mul3A_89 = arith.constant 40 : i32
      %mul3A_90 = arith.muli %arg1, %mul3A_89 : i32
      %add3A_91 = arith.constant 1920 : i32
      %add3A_92 = arith.addi %add3A_91, %mul3A_90 : i32
      "tpu.region"() ({
        %run_scoped3A = tpu.sem_alloc : memref<!tpu.dma_semaphore, #tpu.memory_space<semaphore_mem>>
        %dma_start3A_93 = arith.constant 0 : i32
        %dma_start3A_94 = arith.constant 0 : i32
        %dma_start3A_95 = tpu.memref_slice %arg7[%dma_start3A_93, %dma_start3A_94] : memref<120x128xi32, #tpu.memory_space<vmem>> -> memref<40x128xi32, #tpu.memory_space<vmem>>
        %dma_start3A_96 = arith.constant 0 : i32
        %dma_start3A_97 = tpu.memref_slice %arg3[%add3A_92, %dma_start3A_96] : memref<2560x128xi32, #tpu.memory_space<hbm>> -> memref<40x128xi32, #tpu.memory_space<hbm>>
        %dma_start3A_98 = arith.constant 0 : i32
        %dma_start3A_99 = arith.constant 0 : i32
        %dma_start3A_100 = tpu.memref_slice %arg7[%dma_start3A_98, %dma_start3A_99] : memref<120x128xi32, #tpu.memory_space<vmem>> -> memref<40x128xi32, #tpu.memory_space<vmem>>
        %dma_start3A_101 = arith.constant 0 : i32
        %dma_start3A_102 = tpu.memref_slice %arg3[%add3A_92, %dma_start3A_101] : memref<2560x128xi32, #tpu.memory_space<hbm>> -> memref<40x128xi32, #tpu.memory_space<hbm>>
        tpu.enqueue_dma source(%dma_start3A_102 : memref<40x128xi32, #tpu.memory_space<hbm>>) target(%dma_start3A_100 : memref<40x128xi32, #tpu.memory_space<vmem>>) target_semaphore(%run_scoped3A : memref<!tpu.dma_semaphore, #tpu.memory_space<semaphore_mem>>)
        %dma_wait3A = arith.constant 0 : i32
        %dma_wait3A_103 = arith.constant 0 : i32
        %dma_wait3A_104 = tpu.memref_slice %arg7[%dma_wait3A, %dma_wait3A_103] : memref<120x128xi32, #tpu.memory_space<vmem>> -> memref<40x128xi32, #tpu.memory_space<vmem>>
        %dma_wait3A_105 = arith.constant 0 : i32
        %dma_wait3A_106 = tpu.memref_slice %arg3[%add3A_92, %dma_wait3A_105] : memref<2560x128xi32, #tpu.memory_space<hbm>> -> memref<40x128xi32, #tpu.memory_space<hbm>>
        %dma_wait3A_107 = arith.constant 0 : i32
        %dma_wait3A_108 = arith.constant 0 : i32
        %dma_wait3A_109 = tpu.memref_slice %arg7[%dma_wait3A_107, %dma_wait3A_108] : memref<120x128xi32, #tpu.memory_space<vmem>> -> memref<40x128xi32, #tpu.memory_space<vmem>>
        %dma_wait3A_110 = arith.constant 0 : i32
        %dma_wait3A_111 = tpu.memref_slice %arg3[%add3A_92, %dma_wait3A_110] : memref<2560x128xi32, #tpu.memory_space<hbm>> -> memref<40x128xi32, #tpu.memory_space<hbm>>
        tpu.wait_dma2 semaphore(%run_scoped3A : memref<!tpu.dma_semaphore, #tpu.memory_space<semaphore_mem>>) src(%dma_wait3A_111 : memref<40x128xi32, #tpu.memory_space<hbm>>) dst(%dma_wait3A_109 : memref<40x128xi32, #tpu.memory_space<vmem>>)
        tpu.yield
      }) : () -> ()
    } else {
    }
    %barrier3A = arith.constant 0 : index
    tpu.barrier barrier_id(%barrier3A)
    %add3A_14 = arith.constant 0 : i32
    %add3A_15 = arith.addi %add3A, %add3A_14 : i32
    %dma_start3A = arith.constant 0 : i32
    %dma_start3A_16 = tpu.memref_slice %arg4[%add3A_15, %dma_start3A] : memref<2560x128xi32, #tpu.memory_space<hbm>> -> memref<1x128xi32, #tpu.memory_space<hbm>>
    %dma_start3A_17 = tpu.memref_squeeze %dma_start3A_16 : memref<1x128xi32, #tpu.memory_space<hbm>> -> memref<128xi32, #tpu.memory_space<hbm>>
    %dma_start3A_18 = arith.constant 0 : i32
    %dma_start3A_19 = tpu.memref_slice %arg4[%add3A_15, %dma_start3A_18] : memref<2560x128xi32, #tpu.memory_space<hbm>> -> memref<1x128xi32, #tpu.memory_space<hbm>>
    %dma_start3A_20 = tpu.memref_squeeze %dma_start3A_19 : memref<1x128xi32, #tpu.memory_space<hbm>> -> memref<128xi32, #tpu.memory_space<hbm>>
    tpu.enqueue_dma source(%dma_start3A_20 : memref<128xi32, #tpu.memory_space<hbm>>) target(%arg8 : memref<128xi32, #tpu.memory_space<vmem>>) target_semaphore(%arg16 : memref<!tpu.dma_semaphore, #tpu.memory_space<semaphore_mem>>)
    %add3A_21 = arith.constant 1 : i32
    %add3A_22 = arith.addi %add3A, %add3A_21 : i32
    %dma_start3A_23 = arith.constant 0 : i32
    %dma_start3A_24 = tpu.memref_slice %arg4[%add3A_22, %dma_start3A_23] : memref<2560x128xi32, #tpu.memory_space<hbm>> -> memref<1x128xi32, #tpu.memory_space<hbm>>
    %dma_start3A_25 = tpu.memref_squeeze %dma_start3A_24 : memref<1x128xi32, #tpu.memory_space<hbm>> -> memref<128xi32, #tpu.memory_space<hbm>>
    %dma_start3A_26 = arith.constant 0 : i32
    %dma_start3A_27 = tpu.memref_slice %arg4[%add3A_22, %dma_start3A_26] : memref<2560x128xi32, #tpu.memory_space<hbm>> -> memref<1x128xi32, #tpu.memory_space<hbm>>
    %dma_start3A_28 = tpu.memref_squeeze %dma_start3A_27 : memref<1x128xi32, #tpu.memory_space<hbm>> -> memref<128xi32, #tpu.memory_space<hbm>>
    tpu.enqueue_dma source(%dma_start3A_28 : memref<128xi32, #tpu.memory_space<hbm>>) target(%arg9 : memref<128xi32, #tpu.memory_space<vmem>>) target_semaphore(%arg17 : memref<!tpu.dma_semaphore, #tpu.memory_space<semaphore_mem>>)
    %add3A_29 = arith.constant 2 : i32
    %add3A_30 = arith.addi %add3A, %add3A_29 : i32
    %dma_start3A_31 = arith.constant 0 : i32
    %dma_start3A_32 = tpu.memref_slice %arg4[%add3A_30, %dma_start3A_31] : memref<2560x128xi32, #tpu.memory_space<hbm>> -> memref<1x128xi32, #tpu.memory_space<hbm>>
    %dma_start3A_33 = tpu.memref_squeeze %dma_start3A_32 : memref<1x128xi32, #tpu.memory_space<hbm>> -> memref<128xi32, #tpu.memory_space<hbm>>
    %dma_start3A_34 = arith.constant 0 : i32
    %dma_start3A_35 = tpu.memref_slice %arg4[%add3A_30, %dma_start3A_34] : memref<2560x128xi32, #tpu.memory_space<hbm>> -> memref<1x128xi32, #tpu.memory_space<hbm>>
    %dma_start3A_36 = tpu.memref_squeeze %dma_start3A_35 : memref<1x128xi32, #tpu.memory_space<hbm>> -> memref<128xi32, #tpu.memory_space<hbm>>
    tpu.enqueue_dma source(%dma_start3A_36 : memref<128xi32, #tpu.memory_space<hbm>>) target(%arg10 : memref<128xi32, #tpu.memory_space<vmem>>) target_semaphore(%arg18 : memref<!tpu.dma_semaphore, #tpu.memory_space<semaphore_mem>>)
    %add3A_37 = arith.constant 3 : i32
    %add3A_38 = arith.addi %add3A, %add3A_37 : i32
    %dma_start3A_39 = arith.constant 0 : i32
    %dma_start3A_40 = tpu.memref_slice %arg4[%add3A_38, %dma_start3A_39] : memref<2560x128xi32, #tpu.memory_space<hbm>> -> memref<1x128xi32, #tpu.memory_space<hbm>>
    %dma_start3A_41 = tpu.memref_squeeze %dma_start3A_40 : memref<1x128xi32, #tpu.memory_space<hbm>> -> memref<128xi32, #tpu.memory_space<hbm>>
    %dma_start3A_42 = arith.constant 0 : i32
    %dma_start3A_43 = tpu.memref_slice %arg4[%add3A_38, %dma_start3A_42] : memref<2560x128xi32, #tpu.memory_space<hbm>> -> memref<1x128xi32, #tpu.memory_space<hbm>>
    %dma_start3A_44 = tpu.memref_squeeze %dma_start3A_43 : memref<1x128xi32, #tpu.memory_space<hbm>> -> memref<128xi32, #tpu.memory_space<hbm>>
    tpu.enqueue_dma source(%dma_start3A_44 : memref<128xi32, #tpu.memory_space<hbm>>) target(%arg11 : memref<128xi32, #tpu.memory_space<vmem>>) target_semaphore(%arg19 : memref<!tpu.dma_semaphore, #tpu.memory_space<semaphore_mem>>)
    %dma_start3A_45 = arith.constant 0 : i32
    %dma_start3A_46 = arith.constant 0 : i32
    %dma_start3A_47 = tpu.memref_slice %arg7[%dma_start3A_45, %dma_start3A_46] : memref<120x128xi32, #tpu.memory_space<vmem>> -> memref<1x128xi32, #tpu.memory_space<vmem>>
    %dma_start3A_48 = tpu.memref_squeeze %dma_start3A_47 : memref<1x128xi32, #tpu.memory_space<vmem>> -> memref<128xi32, #tpu.memory_space<vmem>>
    %dma_start3A_49 = arith.constant 0 : i32
    %dma_start3A_50 = arith.constant 0 : i32
    %dma_start3A_51 = tpu.memref_slice %arg2[%dma_start3A_49, %dma_start3A_50] : memref<10000x128xf32, #tpu.memory_space<hbm>> -> memref<10000x128xf32, #tpu.memory_space<hbm>>
    tpu.enqueue_indirect_dma source(%dma_start3A_51 : memref<10000x128xf32, #tpu.memory_space<hbm>>) target(%arg12 : memref<128x128xf32, #tpu.memory_space<vmem>>) offsets(%dma_start3A_48 : memref<128xi32, #tpu.memory_space<vmem>>) semaphore(%arg14 : memref<!tpu.dma_semaphore, #tpu.memory_space<semaphore_mem>>)
    %dma_start3A_52 = arith.constant 1 : i32
    %dma_start3A_53 = arith.constant 0 : i32
    %dma_start3A_54 = tpu.memref_slice %arg7[%dma_start3A_52, %dma_start3A_53] : memref<120x128xi32, #tpu.memory_space<vmem>> -> memref<1x128xi32, #tpu.memory_space<vmem>>
    %dma_start3A_55 = tpu.memref_squeeze %dma_start3A_54 : memref<1x128xi32, #tpu.memory_space<vmem>> -> memref<128xi32, #tpu.memory_space<vmem>>
    %dma_start3A_56 = arith.constant 0 : i32
    %dma_start3A_57 = arith.constant 0 : i32
    %dma_start3A_58 = tpu.memref_slice %arg2[%dma_start3A_56, %dma_start3A_57] : memref<10000x128xf32, #tpu.memory_space<hbm>> -> memref<10000x128xf32, #tpu.memory_space<hbm>>
    tpu.enqueue_indirect_dma source(%dma_start3A_58 : memref<10000x128xf32, #tpu.memory_space<hbm>>) target(%arg13 : memref<128x128xf32, #tpu.memory_space<vmem>>) offsets(%dma_start3A_55 : memref<128xi32, #tpu.memory_space<vmem>>) semaphore(%arg15 : memref<!tpu.dma_semaphore, #tpu.memory_space<semaphore_mem>>)
    %jit3A_59 = arith.constant 4 : i32
    %div3A = arith.divsi %select_n3A, %jit3A_59 : i32
    %sign3A = arith.constant 0 : i32
    %sign3A_60 = arith.cmpi sgt, %select_n3A, %sign3A : i32
    %sign3A_61 = arith.extui %sign3A_60 : i1 to i32
    %sign3A_62 = arith.constant 0 : i32
    %sign3A_63 = arith.cmpi slt, %select_n3A, %sign3A_62 : i32
    %sign3A_64 = arith.extui %sign3A_63 : i1 to i32
    %sign3A_65 = arith.subi %sign3A_61, %sign3A_64 : i32
    %sign3A_66 = arith.constant 0 : i32
    %sign3A_67 = arith.cmpi sgt, %jit3A_59, %sign3A_66 : i32
    %sign3A_68 = arith.extui %sign3A_67 : i1 to i32
    %sign3A_69 = arith.constant 0 : i32
    %sign3A_70 = arith.cmpi slt, %jit3A_59, %sign3A_69 : i32
    %sign3A_71 = arith.extui %sign3A_70 : i1 to i32
    %sign3A_72 = arith.subi %sign3A_68, %sign3A_71 : i32
    %ne3A = arith.cmpi ne, %sign3A_65, %sign3A_72 : i32
    %rem3A = arith.remsi %select_n3A, %jit3A_59 : i32
    %ne3A_73 = arith.constant 0 : i32
    %ne3A_74 = arith.cmpi ne, %rem3A, %ne3A_73 : i32
    %and3A = arith.andi %ne3A, %ne3A_74 : i1
    %sub3A = arith.constant 1 : i32
    %sub3A_75 = arith.subi %div3A, %sub3A : i32
    %select_n3A_76 = arith.select %and3A, %sub3A_75, %div3A : i32
    %while3A = arith.constant 0 : i32
    %while3A_77 = arith.constant 0 : i32
    %while3A_78 = arith.subi %select_n3A_76, %while3A_77 : i32
    %while3A_79 = arith.addi %while3A_77, %while3A_78 : i32
    %while3A_80 = arith.constant 1 : i32
    %while3A_81 = arith.divsi %while3A_78, %while3A_80 : i32
    %while3A_82 = arith.muli %while3A_81, %while3A_80 : i32
    %while3A_83 = arith.addi %while3A_77, %while3A_82 : i32
    %while3A_84 = arith.constant 1 : i32
    scf.for %while3A_89 = %while3A_77 to %while3A_83 step %while3A_84  : i32 {
      %mul3A_90 = arith.constant 4 : i32
      %mul3A_91 = arith.muli %mul3A_90, %while3A_89 : i32
      %add3A_92 = arith.constant 0 : i32
      %add3A_93 = arith.addi %mul3A_91, %add3A_92 : i32
      %dma_wait3A = arith.constant 0 : i32
      %dma_wait3A_94 = tpu.memref_slice %arg7[%add3A_93, %dma_wait3A] : memref<120x128xi32, #tpu.memory_space<vmem>> -> memref<1x128xi32, #tpu.memory_space<vmem>>
      %dma_wait3A_95 = tpu.memref_squeeze %dma_wait3A_94 : memref<1x128xi32, #tpu.memory_space<vmem>> -> memref<128xi32, #tpu.memory_space<vmem>>
      %dma_wait3A_96 = arith.constant 0 : i32
      %dma_wait3A_97 = arith.constant 0 : i32
      %dma_wait3A_98 = tpu.memref_slice %arg2[%dma_wait3A_96, %dma_wait3A_97] : memref<10000x128xf32, #tpu.memory_space<hbm>> -> memref<10000x128xf32, #tpu.memory_space<hbm>>
      tpu.wait_indirect_dma semaphore(%arg14 : memref<!tpu.dma_semaphore, #tpu.memory_space<semaphore_mem>>) src(%dma_wait3A_98 : memref<10000x128xf32, #tpu.memory_space<hbm>>) dst(%arg12 : memref<128x128xf32, #tpu.memory_space<vmem>>)
      %add3A_99 = arith.addi %add3A, %add3A_93 : i32
      %dma_wait3A_100 = arith.constant 0 : i32
      %dma_wait3A_101 = tpu.memref_slice %arg4[%add3A_99, %dma_wait3A_100] : memref<2560x128xi32, #tpu.memory_space<hbm>> -> memref<1x128xi32, #tpu.memory_space<hbm>>
      %dma_wait3A_102 = tpu.memref_squeeze %dma_wait3A_101 : memref<1x128xi32, #tpu.memory_space<hbm>> -> memref<128xi32, #tpu.memory_space<hbm>>
      %dma_wait3A_103 = arith.constant 0 : i32
      %dma_wait3A_104 = tpu.memref_slice %arg4[%add3A_99, %dma_wait3A_103] : memref<2560x128xi32, #tpu.memory_space<hbm>> -> memref<1x128xi32, #tpu.memory_space<hbm>>
      %dma_wait3A_105 = tpu.memref_squeeze %dma_wait3A_104 : memref<1x128xi32, #tpu.memory_space<hbm>> -> memref<128xi32, #tpu.memory_space<hbm>>
      tpu.wait_dma2 semaphore(%arg16 : memref<!tpu.dma_semaphore, #tpu.memory_space<semaphore_mem>>) src(%dma_wait3A_105 : memref<128xi32, #tpu.memory_space<hbm>>) dst(%arg8 : memref<128xi32, #tpu.memory_space<vmem>>)
      "tpu.region"() ({
        %run_scoped3A = tpu.sem_alloc : memref<!tpu.dma_semaphore, #tpu.memory_space<semaphore_mem>>
        %dma_start3A_204 = arith.constant 0 : i32
        %dma_start3A_205 = arith.constant 0 : i32
        %dma_start3A_206 = tpu.memref_slice %arg20[%dma_start3A_204, %dma_start3A_205] : memref<10112x128xf32, #tpu.memory_space<vmem_shared>> -> memref<10112x128xf32, #tpu.memory_space<vmem_shared>>
        tpu.enqueue_indirect_dma source(%arg12 : memref<128x128xf32, #tpu.memory_space<vmem>>) target(%dma_start3A_206 : memref<10112x128xf32, #tpu.memory_space<vmem_shared>>) offsets(%arg8 : memref<128xi32, #tpu.memory_space<vmem>>) semaphore(%run_scoped3A : memref<!tpu.dma_semaphore, #tpu.memory_space<semaphore_mem>>) {add = true}
        %dma_wait3A_207 = arith.constant 0 : i32
        %dma_wait3A_208 = arith.constant 0 : i32
        %dma_wait3A_209 = tpu.memref_slice %arg20[%dma_wait3A_207, %dma_wait3A_208] : memref<10112x128xf32, #tpu.memory_space<vmem_shared>> -> memref<10112x128xf32, #tpu.memory_space<vmem_shared>>
        tpu.wait_indirect_dma semaphore(%run_scoped3A : memref<!tpu.dma_semaphore, #tpu.memory_space<semaphore_mem>>) src(%arg12 : memref<128x128xf32, #tpu.memory_space<vmem>>) dst(%dma_wait3A_209 : memref<10112x128xf32, #tpu.memory_space<vmem_shared>>)
        tpu.yield
      }) : () -> ()
      %add3A_106 = arith.constant 4 : i32
      %add3A_107 = arith.addi %add3A_93, %add3A_106 : i32
      %lt3A = arith.cmpi slt, %add3A_107, %select_n3A : i32
      %convert_element_type3A_108 = arith.extui %lt3A : i1 to i32
      %cond3A_109 = arith.constant 0 : i32
      %cond3A_110 = arith.cmpi ne, %convert_element_type3A_108, %cond3A_109 : i32
      scf.if %cond3A_110 {
        %add3A_204 = arith.addi %add3A, %add3A_93 : i32
        %add3A_205 = arith.constant 4 : i32
        %add3A_206 = arith.addi %add3A_204, %add3A_205 : i32
        %dma_start3A_207 = arith.constant 0 : i32
        %dma_start3A_208 = tpu.memref_slice %arg4[%add3A_206, %dma_start3A_207] : memref<2560x128xi32, #tpu.memory_space<hbm>> -> memref<1x128xi32, #tpu.memory_space<hbm>>
        %dma_start3A_209 = tpu.memref_squeeze %dma_start3A_208 : memref<1x128xi32, #tpu.memory_space<hbm>> -> memref<128xi32, #tpu.memory_space<hbm>>
        %dma_start3A_210 = arith.constant 0 : i32
        %dma_start3A_211 = tpu.memref_slice %arg4[%add3A_206, %dma_start3A_210] : memref<2560x128xi32, #tpu.memory_space<hbm>> -> memref<1x128xi32, #tpu.memory_space<hbm>>
        %dma_start3A_212 = tpu.memref_squeeze %dma_start3A_211 : memref<1x128xi32, #tpu.memory_space<hbm>> -> memref<128xi32, #tpu.memory_space<hbm>>
        tpu.enqueue_dma source(%dma_start3A_212 : memref<128xi32, #tpu.memory_space<hbm>>) target(%arg8 : memref<128xi32, #tpu.memory_space<vmem>>) target_semaphore(%arg16 : memref<!tpu.dma_semaphore, #tpu.memory_space<semaphore_mem>>)
      } else {
      }
      %add3A_111 = arith.constant 2 : i32
      %add3A_112 = arith.addi %add3A_93, %add3A_111 : i32
      %lt3A_113 = arith.cmpi slt, %add3A_112, %select_n3A : i32
      %convert_element_type3A_114 = arith.extui %lt3A_113 : i1 to i32
      %cond3A_115 = arith.constant 0 : i32
      %cond3A_116 = arith.cmpi ne, %convert_element_type3A_114, %cond3A_115 : i32
      scf.if %cond3A_116 {
        %add3A_204 = arith.constant 2 : i32
        %add3A_205 = arith.addi %add3A_93, %add3A_204 : i32
        %dma_start3A_206 = arith.constant 0 : i32
        %dma_start3A_207 = tpu.memref_slice %arg7[%add3A_205, %dma_start3A_206] : memref<120x128xi32, #tpu.memory_space<vmem>> -> memref<1x128xi32, #tpu.memory_space<vmem>>
        %dma_start3A_208 = tpu.memref_squeeze %dma_start3A_207 : memref<1x128xi32, #tpu.memory_space<vmem>> -> memref<128xi32, #tpu.memory_space<vmem>>
        %dma_start3A_209 = arith.constant 0 : i32
        %dma_start3A_210 = arith.constant 0 : i32
        %dma_start3A_211 = tpu.memref_slice %arg2[%dma_start3A_209, %dma_start3A_210] : memref<10000x128xf32, #tpu.memory_space<hbm>> -> memref<10000x128xf32, #tpu.memory_space<hbm>>
        tpu.enqueue_indirect_dma source(%dma_start3A_211 : memref<10000x128xf32, #tpu.memory_space<hbm>>) target(%arg12 : memref<128x128xf32, #tpu.memory_space<vmem>>) offsets(%dma_start3A_208 : memref<128xi32, #tpu.memory_space<vmem>>) semaphore(%arg14 : memref<!tpu.dma_semaphore, #tpu.memory_space<semaphore_mem>>)
      } else {
      }
      %mul3A_117 = arith.constant 4 : i32
      %mul3A_118 = arith.muli %mul3A_117, %while3A_89 : i32
      %add3A_119 = arith.constant 1 : i32
      %add3A_120 = arith.addi %mul3A_118, %add3A_119 : i32
      %dma_wait3A_121 = arith.constant 0 : i32
      %dma_wait3A_122 = tpu.memref_slice %arg7[%add3A_120, %dma_wait3A_121] : memref<120x128xi32, #tpu.memory_space<vmem>> -> memref<1x128xi32, #tpu.memory_space<vmem>>
      %dma_wait3A_123 = tpu.memref_squeeze %dma_wait3A_122 : memref<1x128xi32, #tpu.memory_space<vmem>> -> memref<128xi32, #tpu.memory_space<vmem>>
      %dma_wait3A_124 = arith.constant 0 : i32
      %dma_wait3A_125 = arith.constant 0 : i32
      %dma_wait3A_126 = tpu.memref_slice %arg2[%dma_wait3A_124, %dma_wait3A_125] : memref<10000x128xf32, #tpu.memory_space<hbm>> -> memref<10000x128xf32, #tpu.memory_space<hbm>>
      tpu.wait_indirect_dma semaphore(%arg15 : memref<!tpu.dma_semaphore, #tpu.memory_space<semaphore_mem>>) src(%dma_wait3A_126 : memref<10000x128xf32, #tpu.memory_space<hbm>>) dst(%arg13 : memref<128x128xf32, #tpu.memory_space<vmem>>)
      %add3A_127 = arith.addi %add3A, %add3A_120 : i32
      %dma_wait3A_128 = arith.constant 0 : i32
      %dma_wait3A_129 = tpu.memref_slice %arg4[%add3A_127, %dma_wait3A_128] : memref<2560x128xi32, #tpu.memory_space<hbm>> -> memref<1x128xi32, #tpu.memory_space<hbm>>
      %dma_wait3A_130 = tpu.memref_squeeze %dma_wait3A_129 : memref<1x128xi32, #tpu.memory_space<hbm>> -> memref<128xi32, #tpu.memory_space<hbm>>
      %dma_wait3A_131 = arith.constant 0 : i32
      %dma_wait3A_132 = tpu.memref_slice %arg4[%add3A_127, %dma_wait3A_131] : memref<2560x128xi32, #tpu.memory_space<hbm>> -> memref<1x128xi32, #tpu.memory_space<hbm>>
      %dma_wait3A_133 = tpu.memref_squeeze %dma_wait3A_132 : memref<1x128xi32, #tpu.memory_space<hbm>> -> memref<128xi32, #tpu.memory_space<hbm>>
      tpu.wait_dma2 semaphore(%arg17 : memref<!tpu.dma_semaphore, #tpu.memory_space<semaphore_mem>>) src(%dma_wait3A_133 : memref<128xi32, #tpu.memory_space<hbm>>) dst(%arg9 : memref<128xi32, #tpu.memory_space<vmem>>)
      "tpu.region"() ({
        %run_scoped3A = tpu.sem_alloc : memref<!tpu.dma_semaphore, #tpu.memory_space<semaphore_mem>>
        %dma_start3A_204 = arith.constant 0 : i32
        %dma_start3A_205 = arith.constant 0 : i32
        %dma_start3A_206 = tpu.memref_slice %arg20[%dma_start3A_204, %dma_start3A_205] : memref<10112x128xf32, #tpu.memory_space<vmem_shared>> -> memref<10112x128xf32, #tpu.memory_space<vmem_shared>>
        tpu.enqueue_indirect_dma source(%arg13 : memref<128x128xf32, #tpu.memory_space<vmem>>) target(%dma_start3A_206 : memref<10112x128xf32, #tpu.memory_space<vmem_shared>>) offsets(%arg9 : memref<128xi32, #tpu.memory_space<vmem>>) semaphore(%run_scoped3A : memref<!tpu.dma_semaphore, #tpu.memory_space<semaphore_mem>>) {add = true}
        %dma_wait3A_207 = arith.constant 0 : i32
        %dma_wait3A_208 = arith.constant 0 : i32
        %dma_wait3A_209 = tpu.memref_slice %arg20[%dma_wait3A_207, %dma_wait3A_208] : memref<10112x128xf32, #tpu.memory_space<vmem_shared>> -> memref<10112x128xf32, #tpu.memory_space<vmem_shared>>
        tpu.wait_indirect_dma semaphore(%run_scoped3A : memref<!tpu.dma_semaphore, #tpu.memory_space<semaphore_mem>>) src(%arg13 : memref<128x128xf32, #tpu.memory_space<vmem>>) dst(%dma_wait3A_209 : memref<10112x128xf32, #tpu.memory_space<vmem_shared>>)
        tpu.yield
      }) : () -> ()
      %add3A_134 = arith.constant 4 : i32
      %add3A_135 = arith.addi %add3A_120, %add3A_134 : i32
      %lt3A_136 = arith.cmpi slt, %add3A_135, %select_n3A : i32
      %convert_element_type3A_137 = arith.extui %lt3A_136 : i1 to i32
      %cond3A_138 = arith.constant 0 : i32
      %cond3A_139 = arith.cmpi ne, %convert_element_type3A_137, %cond3A_138 : i32
      scf.if %cond3A_139 {
        %add3A_204 = arith.addi %add3A, %add3A_120 : i32
        %add3A_205 = arith.constant 4 : i32
        %add3A_206 = arith.addi %add3A_204, %add3A_205 : i32
        %dma_start3A_207 = arith.constant 0 : i32
        %dma_start3A_208 = tpu.memref_slice %arg4[%add3A_206, %dma_start3A_207] : memref<2560x128xi32, #tpu.memory_space<hbm>> -> memref<1x128xi32, #tpu.memory_space<hbm>>
        %dma_start3A_209 = tpu.memref_squeeze %dma_start3A_208 : memref<1x128xi32, #tpu.memory_space<hbm>> -> memref<128xi32, #tpu.memory_space<hbm>>
        %dma_start3A_210 = arith.constant 0 : i32
        %dma_start3A_211 = tpu.memref_slice %arg4[%add3A_206, %dma_start3A_210] : memref<2560x128xi32, #tpu.memory_space<hbm>> -> memref<1x128xi32, #tpu.memory_space<hbm>>
        %dma_start3A_212 = tpu.memref_squeeze %dma_start3A_211 : memref<1x128xi32, #tpu.memory_space<hbm>> -> memref<128xi32, #tpu.memory_space<hbm>>
        tpu.enqueue_dma source(%dma_start3A_212 : memref<128xi32, #tpu.memory_space<hbm>>) target(%arg9 : memref<128xi32, #tpu.memory_space<vmem>>) target_semaphore(%arg17 : memref<!tpu.dma_semaphore, #tpu.memory_space<semaphore_mem>>)
      } else {
      }
      %add3A_140 = arith.constant 2 : i32
      %add3A_141 = arith.addi %add3A_120, %add3A_140 : i32
      %lt3A_142 = arith.cmpi slt, %add3A_141, %select_n3A : i32
      %convert_element_type3A_143 = arith.extui %lt3A_142 : i1 to i32
      %cond3A_144 = arith.constant 0 : i32
      %cond3A_145 = arith.cmpi ne, %convert_element_type3A_143, %cond3A_144 : i32
      scf.if %cond3A_145 {
        %add3A_204 = arith.constant 2 : i32
        %add3A_205 = arith.addi %add3A_120, %add3A_204 : i32
        %dma_start3A_206 = arith.constant 0 : i32
        %dma_start3A_207 = tpu.memref_slice %arg7[%add3A_205, %dma_start3A_206] : memref<120x128xi32, #tpu.memory_space<vmem>> -> memref<1x128xi32, #tpu.memory_space<vmem>>
        %dma_start3A_208 = tpu.memref_squeeze %dma_start3A_207 : memref<1x128xi32, #tpu.memory_space<vmem>> -> memref<128xi32, #tpu.memory_space<vmem>>
        %dma_start3A_209 = arith.constant 0 : i32
        %dma_start3A_210 = arith.constant 0 : i32
        %dma_start3A_211 = tpu.memref_slice %arg2[%dma_start3A_209, %dma_start3A_210] : memref<10000x128xf32, #tpu.memory_space<hbm>> -> memref<10000x128xf32, #tpu.memory_space<hbm>>
        tpu.enqueue_indirect_dma source(%dma_start3A_211 : memref<10000x128xf32, #tpu.memory_space<hbm>>) target(%arg13 : memref<128x128xf32, #tpu.memory_space<vmem>>) offsets(%dma_start3A_208 : memref<128xi32, #tpu.memory_space<vmem>>) semaphore(%arg15 : memref<!tpu.dma_semaphore, #tpu.memory_space<semaphore_mem>>)
      } else {
      }
      %mul3A_146 = arith.constant 4 : i32
      %mul3A_147 = arith.muli %mul3A_146, %while3A_89 : i32
      %add3A_148 = arith.constant 2 : i32
      %add3A_149 = arith.addi %mul3A_147, %add3A_148 : i32
      %dma_wait3A_150 = arith.constant 0 : i32
      %dma_wait3A_151 = tpu.memref_slice %arg7[%add3A_149, %dma_wait3A_150] : memref<120x128xi32, #tpu.memory_space<vmem>> -> memref<1x128xi32, #tpu.memory_space<vmem>>
      %dma_wait3A_152 = tpu.memref_squeeze %dma_wait3A_151 : memref<1x128xi32, #tpu.memory_space<vmem>> -> memref<128xi32, #tpu.memory_space<vmem>>
      %dma_wait3A_153 = arith.constant 0 : i32
      %dma_wait3A_154 = arith.constant 0 : i32
      %dma_wait3A_155 = tpu.memref_slice %arg2[%dma_wait3A_153, %dma_wait3A_154] : memref<10000x128xf32, #tpu.memory_space<hbm>> -> memref<10000x128xf32, #tpu.memory_space<hbm>>
      tpu.wait_indirect_dma semaphore(%arg14 : memref<!tpu.dma_semaphore, #tpu.memory_space<semaphore_mem>>) src(%dma_wait3A_155 : memref<10000x128xf32, #tpu.memory_space<hbm>>) dst(%arg12 : memref<128x128xf32, #tpu.memory_space<vmem>>)
      %add3A_156 = arith.addi %add3A, %add3A_149 : i32
      %dma_wait3A_157 = arith.constant 0 : i32
      %dma_wait3A_158 = tpu.memref_slice %arg4[%add3A_156, %dma_wait3A_157] : memref<2560x128xi32, #tpu.memory_space<hbm>> -> memref<1x128xi32, #tpu.memory_space<hbm>>
      %dma_wait3A_159 = tpu.memref_squeeze %dma_wait3A_158 : memref<1x128xi32, #tpu.memory_space<hbm>> -> memref<128xi32, #tpu.memory_space<hbm>>
      %dma_wait3A_160 = arith.constant 0 : i32
      %dma_wait3A_161 = tpu.memref_slice %arg4[%add3A_156, %dma_wait3A_160] : memref<2560x128xi32, #tpu.memory_space<hbm>> -> memref<1x128xi32, #tpu.memory_space<hbm>>
      %dma_wait3A_162 = tpu.memref_squeeze %dma_wait3A_161 : memref<1x128xi32, #tpu.memory_space<hbm>> -> memref<128xi32, #tpu.memory_space<hbm>>
      tpu.wait_dma2 semaphore(%arg18 : memref<!tpu.dma_semaphore, #tpu.memory_space<semaphore_mem>>) src(%dma_wait3A_162 : memref<128xi32, #tpu.memory_space<hbm>>) dst(%arg10 : memref<128xi32, #tpu.memory_space<vmem>>)
      "tpu.region"() ({
        %run_scoped3A = tpu.sem_alloc : memref<!tpu.dma_semaphore, #tpu.memory_space<semaphore_mem>>
        %dma_start3A_204 = arith.constant 0 : i32
        %dma_start3A_205 = arith.constant 0 : i32
        %dma_start3A_206 = tpu.memref_slice %arg20[%dma_start3A_204, %dma_start3A_205] : memref<10112x128xf32, #tpu.memory_space<vmem_shared>> -> memref<10112x128xf32, #tpu.memory_space<vmem_shared>>
        tpu.enqueue_indirect_dma source(%arg12 : memref<128x128xf32, #tpu.memory_space<vmem>>) target(%dma_start3A_206 : memref<10112x128xf32, #tpu.memory_space<vmem_shared>>) offsets(%arg10 : memref<128xi32, #tpu.memory_space<vmem>>) semaphore(%run_scoped3A : memref<!tpu.dma_semaphore, #tpu.memory_space<semaphore_mem>>) {add = true}
        %dma_wait3A_207 = arith.constant 0 : i32
        %dma_wait3A_208 = arith.constant 0 : i32
        %dma_wait3A_209 = tpu.memref_slice %arg20[%dma_wait3A_207, %dma_wait3A_208] : memref<10112x128xf32, #tpu.memory_space<vmem_shared>> -> memref<10112x128xf32, #tpu.memory_space<vmem_shared>>
        tpu.wait_indirect_dma semaphore(%run_scoped3A : memref<!tpu.dma_semaphore, #tpu.memory_space<semaphore_mem>>) src(%arg12 : memref<128x128xf32, #tpu.memory_space<vmem>>) dst(%dma_wait3A_209 : memref<10112x128xf32, #tpu.memory_space<vmem_shared>>)
        tpu.yield
      }) : () -> ()
      %add3A_163 = arith.constant 4 : i32
      %add3A_164 = arith.addi %add3A_149, %add3A_163 : i32
      %lt3A_165 = arith.cmpi slt, %add3A_164, %select_n3A : i32
      %convert_element_type3A_166 = arith.extui %lt3A_165 : i1 to i32
      %cond3A_167 = arith.constant 0 : i32
      %cond3A_168 = arith.cmpi ne, %convert_element_type3A_166, %cond3A_167 : i32
      scf.if %cond3A_168 {
        %add3A_204 = arith.addi %add3A, %add3A_149 : i32
        %add3A_205 = arith.constant 4 : i32
        %add3A_206 = arith.addi %add3A_204, %add3A_205 : i32
        %dma_start3A_207 = arith.constant 0 : i32
        %dma_start3A_208 = tpu.memref_slice %arg4[%add3A_206, %dma_start3A_207] : memref<2560x128xi32, #tpu.memory_space<hbm>> -> memref<1x128xi32, #tpu.memory_space<hbm>>
        %dma_start3A_209 = tpu.memref_squeeze %dma_start3A_208 : memref<1x128xi32, #tpu.memory_space<hbm>> -> memref<128xi32, #tpu.memory_space<hbm>>
        %dma_start3A_210 = arith.constant 0 : i32
        %dma_start3A_211 = tpu.memref_slice %arg4[%add3A_206, %dma_start3A_210] : memref<2560x128xi32, #tpu.memory_space<hbm>> -> memref<1x128xi32, #tpu.memory_space<hbm>>
        %dma_start3A_212 = tpu.memref_squeeze %dma_start3A_211 : memref<1x128xi32, #tpu.memory_space<hbm>> -> memref<128xi32, #tpu.memory_space<hbm>>
        tpu.enqueue_dma source(%dma_start3A_212 : memref<128xi32, #tpu.memory_space<hbm>>) target(%arg10 : memref<128xi32, #tpu.memory_space<vmem>>) target_semaphore(%arg18 : memref<!tpu.dma_semaphore, #tpu.memory_space<semaphore_mem>>)
      } else {
      }
      %add3A_169 = arith.constant 2 : i32
      %add3A_170 = arith.addi %add3A_149, %add3A_169 : i32
      %lt3A_171 = arith.cmpi slt, %add3A_170, %select_n3A : i32
      %convert_element_type3A_172 = arith.extui %lt3A_171 : i1 to i32
      %cond3A_173 = arith.constant 0 : i32
      %cond3A_174 = arith.cmpi ne, %convert_element_type3A_172, %cond3A_173 : i32
      scf.if %cond3A_174 {
        %add3A_204 = arith.constant 2 : i32
        %add3A_205 = arith.addi %add3A_149, %add3A_204 : i32
        %dma_start3A_206 = arith.constant 0 : i32
        %dma_start3A_207 = tpu.memref_slice %arg7[%add3A_205, %dma_start3A_206] : memref<120x128xi32, #tpu.memory_space<vmem>> -> memref<1x128xi32, #tpu.memory_space<vmem>>
        %dma_start3A_208 = tpu.memref_squeeze %dma_start3A_207 : memref<1x128xi32, #tpu.memory_space<vmem>> -> memref<128xi32, #tpu.memory_space<vmem>>
        %dma_start3A_209 = arith.constant 0 : i32
        %dma_start3A_210 = arith.constant 0 : i32
        %dma_start3A_211 = tpu.memref_slice %arg2[%dma_start3A_209, %dma_start3A_210] : memref<10000x128xf32, #tpu.memory_space<hbm>> -> memref<10000x128xf32, #tpu.memory_space<hbm>>
        tpu.enqueue_indirect_dma source(%dma_start3A_211 : memref<10000x128xf32, #tpu.memory_space<hbm>>) target(%arg12 : memref<128x128xf32, #tpu.memory_space<vmem>>) offsets(%dma_start3A_208 : memref<128xi32, #tpu.memory_space<vmem>>) semaphore(%arg14 : memref<!tpu.dma_semaphore, #tpu.memory_space<semaphore_mem>>)
      } else {
      }
      %mul3A_175 = arith.constant 4 : i32
      %mul3A_176 = arith.muli %mul3A_175, %while3A_89 : i32
      %add3A_177 = arith.constant 3 : i32
      %add3A_178 = arith.addi %mul3A_176, %add3A_177 : i32
      %dma_wait3A_179 = arith.constant 0 : i32
      %dma_wait3A_180 = tpu.memref_slice %arg7[%add3A_178, %dma_wait3A_179] : memref<120x128xi32, #tpu.memory_space<vmem>> -> memref<1x128xi32, #tpu.memory_space<vmem>>
      %dma_wait3A_181 = tpu.memref_squeeze %dma_wait3A_180 : memref<1x128xi32, #tpu.memory_space<vmem>> -> memref<128xi32, #tpu.memory_space<vmem>>
      %dma_wait3A_182 = arith.constant 0 : i32
      %dma_wait3A_183 = arith.constant 0 : i32
      %dma_wait3A_184 = tpu.memref_slice %arg2[%dma_wait3A_182, %dma_wait3A_183] : memref<10000x128xf32, #tpu.memory_space<hbm>> -> memref<10000x128xf32, #tpu.memory_space<hbm>>
      tpu.wait_indirect_dma semaphore(%arg15 : memref<!tpu.dma_semaphore, #tpu.memory_space<semaphore_mem>>) src(%dma_wait3A_184 : memref<10000x128xf32, #tpu.memory_space<hbm>>) dst(%arg13 : memref<128x128xf32, #tpu.memory_space<vmem>>)
      %add3A_185 = arith.addi %add3A, %add3A_178 : i32
      %dma_wait3A_186 = arith.constant 0 : i32
      %dma_wait3A_187 = tpu.memref_slice %arg4[%add3A_185, %dma_wait3A_186] : memref<2560x128xi32, #tpu.memory_space<hbm>> -> memref<1x128xi32, #tpu.memory_space<hbm>>
      %dma_wait3A_188 = tpu.memref_squeeze %dma_wait3A_187 : memref<1x128xi32, #tpu.memory_space<hbm>> -> memref<128xi32, #tpu.memory_space<hbm>>
      %dma_wait3A_189 = arith.constant 0 : i32
      %dma_wait3A_190 = tpu.memref_slice %arg4[%add3A_185, %dma_wait3A_189] : memref<2560x128xi32, #tpu.memory_space<hbm>> -> memref<1x128xi32, #tpu.memory_space<hbm>>
      %dma_wait3A_191 = tpu.memref_squeeze %dma_wait3A_190 : memref<1x128xi32, #tpu.memory_space<hbm>> -> memref<128xi32, #tpu.memory_space<hbm>>
      tpu.wait_dma2 semaphore(%arg19 : memref<!tpu.dma_semaphore, #tpu.memory_space<semaphore_mem>>) src(%dma_wait3A_191 : memref<128xi32, #tpu.memory_space<hbm>>) dst(%arg11 : memref<128xi32, #tpu.memory_space<vmem>>)
      "tpu.region"() ({
        %run_scoped3A = tpu.sem_alloc : memref<!tpu.dma_semaphore, #tpu.memory_space<semaphore_mem>>
        %dma_start3A_204 = arith.constant 0 : i32
        %dma_start3A_205 = arith.constant 0 : i32
        %dma_start3A_206 = tpu.memref_slice %arg20[%dma_start3A_204, %dma_start3A_205] : memref<10112x128xf32, #tpu.memory_space<vmem_shared>> -> memref<10112x128xf32, #tpu.memory_space<vmem_shared>>
        tpu.enqueue_indirect_dma source(%arg13 : memref<128x128xf32, #tpu.memory_space<vmem>>) target(%dma_start3A_206 : memref<10112x128xf32, #tpu.memory_space<vmem_shared>>) offsets(%arg11 : memref<128xi32, #tpu.memory_space<vmem>>) semaphore(%run_scoped3A : memref<!tpu.dma_semaphore, #tpu.memory_space<semaphore_mem>>) {add = true}
        %dma_wait3A_207 = arith.constant 0 : i32
        %dma_wait3A_208 = arith.constant 0 : i32
        %dma_wait3A_209 = tpu.memref_slice %arg20[%dma_wait3A_207, %dma_wait3A_208] : memref<10112x128xf32, #tpu.memory_space<vmem_shared>> -> memref<10112x128xf32, #tpu.memory_space<vmem_shared>>
        tpu.wait_indirect_dma semaphore(%run_scoped3A : memref<!tpu.dma_semaphore, #tpu.memory_space<semaphore_mem>>) src(%arg13 : memref<128x128xf32, #tpu.memory_space<vmem>>) dst(%dma_wait3A_209 : memref<10112x128xf32, #tpu.memory_space<vmem_shared>>)
        tpu.yield
      }) : () -> ()
      %add3A_192 = arith.constant 4 : i32
      %add3A_193 = arith.addi %add3A_178, %add3A_192 : i32
      %lt3A_194 = arith.cmpi slt, %add3A_193, %select_n3A : i32
      %convert_element_type3A_195 = arith.extui %lt3A_194 : i1 to i32
      %cond3A_196 = arith.constant 0 : i32
      %cond3A_197 = arith.cmpi ne, %convert_element_type3A_195, %cond3A_196 : i32
      scf.if %cond3A_197 {
        %add3A_204 = arith.addi %add3A, %add3A_178 : i32
        %add3A_205 = arith.constant 4 : i32
        %add3A_206 = arith.addi %add3A_204, %add3A_205 : i32
        %dma_start3A_207 = arith.constant 0 : i32
        %dma_start3A_208 = tpu.memref_slice %arg4[%add3A_206, %dma_start3A_207] : memref<2560x128xi32, #tpu.memory_space<hbm>> -> memref<1x128xi32, #tpu.memory_space<hbm>>
        %dma_start3A_209 = tpu.memref_squeeze %dma_start3A_208 : memref<1x128xi32, #tpu.memory_space<hbm>> -> memref<128xi32, #tpu.memory_space<hbm>>
        %dma_start3A_210 = arith.constant 0 : i32
        %dma_start3A_211 = tpu.memref_slice %arg4[%add3A_206, %dma_start3A_210] : memref<2560x128xi32, #tpu.memory_space<hbm>> -> memref<1x128xi32, #tpu.memory_space<hbm>>
        %dma_start3A_212 = tpu.memref_squeeze %dma_start3A_211 : memref<1x128xi32, #tpu.memory_space<hbm>> -> memref<128xi32, #tpu.memory_space<hbm>>
        tpu.enqueue_dma source(%dma_start3A_212 : memref<128xi32, #tpu.memory_space<hbm>>) target(%arg11 : memref<128xi32, #tpu.memory_space<vmem>>) target_semaphore(%arg19 : memref<!tpu.dma_semaphore, #tpu.memory_space<semaphore_mem>>)
      } else {
      }
      %add3A_198 = arith.constant 2 : i32
      %add3A_199 = arith.addi %add3A_178, %add3A_198 : i32
      %lt3A_200 = arith.cmpi slt, %add3A_199, %select_n3A : i32
      %convert_element_type3A_201 = arith.extui %lt3A_200 : i1 to i32
      %cond3A_202 = arith.constant 0 : i32
      %cond3A_203 = arith.cmpi ne, %convert_element_type3A_201, %cond3A_202 : i32
      scf.if %cond3A_203 {
        %add3A_204 = arith.constant 2 : i32
        %add3A_205 = arith.addi %add3A_178, %add3A_204 : i32
        %dma_start3A_206 = arith.constant 0 : i32
        %dma_start3A_207 = tpu.memref_slice %arg7[%add3A_205, %dma_start3A_206] : memref<120x128xi32, #tpu.memory_space<vmem>> -> memref<1x128xi32, #tpu.memory_space<vmem>>
        %dma_start3A_208 = tpu.memref_squeeze %dma_start3A_207 : memref<1x128xi32, #tpu.memory_space<vmem>> -> memref<128xi32, #tpu.memory_space<vmem>>
        %dma_start3A_209 = arith.constant 0 : i32
        %dma_start3A_210 = arith.constant 0 : i32
        %dma_start3A_211 = tpu.memref_slice %arg2[%dma_start3A_209, %dma_start3A_210] : memref<10000x128xf32, #tpu.memory_space<hbm>> -> memref<10000x128xf32, #tpu.memory_space<hbm>>
        tpu.enqueue_indirect_dma source(%dma_start3A_211 : memref<10000x128xf32, #tpu.memory_space<hbm>>) target(%arg13 : memref<128x128xf32, #tpu.memory_space<vmem>>) offsets(%dma_start3A_208 : memref<128xi32, #tpu.memory_space<vmem>>) semaphore(%arg15 : memref<!tpu.dma_semaphore, #tpu.memory_space<semaphore_mem>>)
      } else {
      }
    }
    %while3A_85 = arith.constant 1 : i32
    scf.for %while3A_89 = %while3A_83 to %while3A_79 step %while3A_85  : i32 {
      %mul3A_90 = arith.constant 4 : i32
      %mul3A_91 = arith.muli %mul3A_90, %while3A_89 : i32
      %add3A_92 = arith.constant 0 : i32
      %add3A_93 = arith.addi %mul3A_91, %add3A_92 : i32
      %dma_wait3A = arith.constant 0 : i32
      %dma_wait3A_94 = tpu.memref_slice %arg7[%add3A_93, %dma_wait3A] : memref<120x128xi32, #tpu.memory_space<vmem>> -> memref<1x128xi32, #tpu.memory_space<vmem>>
      %dma_wait3A_95 = tpu.memref_squeeze %dma_wait3A_94 : memref<1x128xi32, #tpu.memory_space<vmem>> -> memref<128xi32, #tpu.memory_space<vmem>>
      %dma_wait3A_96 = arith.constant 0 : i32
      %dma_wait3A_97 = arith.constant 0 : i32
      %dma_wait3A_98 = tpu.memref_slice %arg2[%dma_wait3A_96, %dma_wait3A_97] : memref<10000x128xf32, #tpu.memory_space<hbm>> -> memref<10000x128xf32, #tpu.memory_space<hbm>>
      tpu.wait_indirect_dma semaphore(%arg14 : memref<!tpu.dma_semaphore, #tpu.memory_space<semaphore_mem>>) src(%dma_wait3A_98 : memref<10000x128xf32, #tpu.memory_space<hbm>>) dst(%arg12 : memref<128x128xf32, #tpu.memory_space<vmem>>)
      %add3A_99 = arith.addi %add3A, %add3A_93 : i32
      %dma_wait3A_100 = arith.constant 0 : i32
      %dma_wait3A_101 = tpu.memref_slice %arg4[%add3A_99, %dma_wait3A_100] : memref<2560x128xi32, #tpu.memory_space<hbm>> -> memref<1x128xi32, #tpu.memory_space<hbm>>
      %dma_wait3A_102 = tpu.memref_squeeze %dma_wait3A_101 : memref<1x128xi32, #tpu.memory_space<hbm>> -> memref<128xi32, #tpu.memory_space<hbm>>
      %dma_wait3A_103 = arith.constant 0 : i32
      %dma_wait3A_104 = tpu.memref_slice %arg4[%add3A_99, %dma_wait3A_103] : memref<2560x128xi32, #tpu.memory_space<hbm>> -> memref<1x128xi32, #tpu.memory_space<hbm>>
      %dma_wait3A_105 = tpu.memref_squeeze %dma_wait3A_104 : memref<1x128xi32, #tpu.memory_space<hbm>> -> memref<128xi32, #tpu.memory_space<hbm>>
      tpu.wait_dma2 semaphore(%arg16 : memref<!tpu.dma_semaphore, #tpu.memory_space<semaphore_mem>>) src(%dma_wait3A_105 : memref<128xi32, #tpu.memory_space<hbm>>) dst(%arg8 : memref<128xi32, #tpu.memory_space<vmem>>)
      "tpu.region"() ({
        %run_scoped3A = tpu.sem_alloc : memref<!tpu.dma_semaphore, #tpu.memory_space<semaphore_mem>>
        %dma_start3A_204 = arith.constant 0 : i32
        %dma_start3A_205 = arith.constant 0 : i32
        %dma_start3A_206 = tpu.memref_slice %arg20[%dma_start3A_204, %dma_start3A_205] : memref<10112x128xf32, #tpu.memory_space<vmem_shared>> -> memref<10112x128xf32, #tpu.memory_space<vmem_shared>>
        tpu.enqueue_indirect_dma source(%arg12 : memref<128x128xf32, #tpu.memory_space<vmem>>) target(%dma_start3A_206 : memref<10112x128xf32, #tpu.memory_space<vmem_shared>>) offsets(%arg8 : memref<128xi32, #tpu.memory_space<vmem>>) semaphore(%run_scoped3A : memref<!tpu.dma_semaphore, #tpu.memory_space<semaphore_mem>>) {add = true}
        %dma_wait3A_207 = arith.constant 0 : i32
        %dma_wait3A_208 = arith.constant 0 : i32
        %dma_wait3A_209 = tpu.memref_slice %arg20[%dma_wait3A_207, %dma_wait3A_208] : memref<10112x128xf32, #tpu.memory_space<vmem_shared>> -> memref<10112x128xf32, #tpu.memory_space<vmem_shared>>
        tpu.wait_indirect_dma semaphore(%run_scoped3A : memref<!tpu.dma_semaphore, #tpu.memory_space<semaphore_mem>>) src(%arg12 : memref<128x128xf32, #tpu.memory_space<vmem>>) dst(%dma_wait3A_209 : memref<10112x128xf32, #tpu.memory_space<vmem_shared>>)
        tpu.yield
      }) : () -> ()
      %add3A_106 = arith.constant 4 : i32
      %add3A_107 = arith.addi %add3A_93, %add3A_106 : i32
      %lt3A = arith.cmpi slt, %add3A_107, %select_n3A : i32
      %convert_element_type3A_108 = arith.extui %lt3A : i1 to i32
      %cond3A_109 = arith.constant 0 : i32
      %cond3A_110 = arith.cmpi ne, %convert_element_type3A_108, %cond3A_109 : i32
      scf.if %cond3A_110 {
        %add3A_204 = arith.addi %add3A, %add3A_93 : i32
        %add3A_205 = arith.constant 4 : i32
        %add3A_206 = arith.addi %add3A_204, %add3A_205 : i32
        %dma_start3A_207 = arith.constant 0 : i32
        %dma_start3A_208 = tpu.memref_slice %arg4[%add3A_206, %dma_start3A_207] : memref<2560x128xi32, #tpu.memory_space<hbm>> -> memref<1x128xi32, #tpu.memory_space<hbm>>
        %dma_start3A_209 = tpu.memref_squeeze %dma_start3A_208 : memref<1x128xi32, #tpu.memory_space<hbm>> -> memref<128xi32, #tpu.memory_space<hbm>>
        %dma_start3A_210 = arith.constant 0 : i32
        %dma_start3A_211 = tpu.memref_slice %arg4[%add3A_206, %dma_start3A_210] : memref<2560x128xi32, #tpu.memory_space<hbm>> -> memref<1x128xi32, #tpu.memory_space<hbm>>
        %dma_start3A_212 = tpu.memref_squeeze %dma_start3A_211 : memref<1x128xi32, #tpu.memory_space<hbm>> -> memref<128xi32, #tpu.memory_space<hbm>>
        tpu.enqueue_dma source(%dma_start3A_212 : memref<128xi32, #tpu.memory_space<hbm>>) target(%arg8 : memref<128xi32, #tpu.memory_space<vmem>>) target_semaphore(%arg16 : memref<!tpu.dma_semaphore, #tpu.memory_space<semaphore_mem>>)
      } else {
      }
      %add3A_111 = arith.constant 2 : i32
      %add3A_112 = arith.addi %add3A_93, %add3A_111 : i32
      %lt3A_113 = arith.cmpi slt, %add3A_112, %select_n3A : i32
      %convert_element_type3A_114 = arith.extui %lt3A_113 : i1 to i32
      %cond3A_115 = arith.constant 0 : i32
      %cond3A_116 = arith.cmpi ne, %convert_element_type3A_114, %cond3A_115 : i32
      scf.if %cond3A_116 {
        %add3A_204 = arith.constant 2 : i32
        %add3A_205 = arith.addi %add3A_93, %add3A_204 : i32
        %dma_start3A_206 = arith.constant 0 : i32
        %dma_start3A_207 = tpu.memref_slice %arg7[%add3A_205, %dma_start3A_206] : memref<120x128xi32, #tpu.memory_space<vmem>> -> memref<1x128xi32, #tpu.memory_space<vmem>>
        %dma_start3A_208 = tpu.memref_squeeze %dma_start3A_207 : memref<1x128xi32, #tpu.memory_space<vmem>> -> memref<128xi32, #tpu.memory_space<vmem>>
        %dma_start3A_209 = arith.constant 0 : i32
        %dma_start3A_210 = arith.constant 0 : i32
        %dma_start3A_211 = tpu.memref_slice %arg2[%dma_start3A_209, %dma_start3A_210] : memref<10000x128xf32, #tpu.memory_space<hbm>> -> memref<10000x128xf32, #tpu.memory_space<hbm>>
        tpu.enqueue_indirect_dma source(%dma_start3A_211 : memref<10000x128xf32, #tpu.memory_space<hbm>>) target(%arg12 : memref<128x128xf32, #tpu.memory_space<vmem>>) offsets(%dma_start3A_208 : memref<128xi32, #tpu.memory_space<vmem>>) semaphore(%arg14 : memref<!tpu.dma_semaphore, #tpu.memory_space<semaphore_mem>>)
      } else {
      }
      %mul3A_117 = arith.constant 4 : i32
      %mul3A_118 = arith.muli %mul3A_117, %while3A_89 : i32
      %add3A_119 = arith.constant 1 : i32
      %add3A_120 = arith.addi %mul3A_118, %add3A_119 : i32
      %dma_wait3A_121 = arith.constant 0 : i32
      %dma_wait3A_122 = tpu.memref_slice %arg7[%add3A_120, %dma_wait3A_121] : memref<120x128xi32, #tpu.memory_space<vmem>> -> memref<1x128xi32, #tpu.memory_space<vmem>>
      %dma_wait3A_123 = tpu.memref_squeeze %dma_wait3A_122 : memref<1x128xi32, #tpu.memory_space<vmem>> -> memref<128xi32, #tpu.memory_space<vmem>>
      %dma_wait3A_124 = arith.constant 0 : i32
      %dma_wait3A_125 = arith.constant 0 : i32
      %dma_wait3A_126 = tpu.memref_slice %arg2[%dma_wait3A_124, %dma_wait3A_125] : memref<10000x128xf32, #tpu.memory_space<hbm>> -> memref<10000x128xf32, #tpu.memory_space<hbm>>
      tpu.wait_indirect_dma semaphore(%arg15 : memref<!tpu.dma_semaphore, #tpu.memory_space<semaphore_mem>>) src(%dma_wait3A_126 : memref<10000x128xf32, #tpu.memory_space<hbm>>) dst(%arg13 : memref<128x128xf32, #tpu.memory_space<vmem>>)
      %add3A_127 = arith.addi %add3A, %add3A_120 : i32
      %dma_wait3A_128 = arith.constant 0 : i32
      %dma_wait3A_129 = tpu.memref_slice %arg4[%add3A_127, %dma_wait3A_128] : memref<2560x128xi32, #tpu.memory_space<hbm>> -> memref<1x128xi32, #tpu.memory_space<hbm>>
      %dma_wait3A_130 = tpu.memref_squeeze %dma_wait3A_129 : memref<1x128xi32, #tpu.memory_space<hbm>> -> memref<128xi32, #tpu.memory_space<hbm>>
      %dma_wait3A_131 = arith.constant 0 : i32
      %dma_wait3A_132 = tpu.memref_slice %arg4[%add3A_127, %dma_wait3A_131] : memref<2560x128xi32, #tpu.memory_space<hbm>> -> memref<1x128xi32, #tpu.memory_space<hbm>>
      %dma_wait3A_133 = tpu.memref_squeeze %dma_wait3A_132 : memref<1x128xi32, #tpu.memory_space<hbm>> -> memref<128xi32, #tpu.memory_space<hbm>>
      tpu.wait_dma2 semaphore(%arg17 : memref<!tpu.dma_semaphore, #tpu.memory_space<semaphore_mem>>) src(%dma_wait3A_133 : memref<128xi32, #tpu.memory_space<hbm>>) dst(%arg9 : memref<128xi32, #tpu.memory_space<vmem>>)
      "tpu.region"() ({
        %run_scoped3A = tpu.sem_alloc : memref<!tpu.dma_semaphore, #tpu.memory_space<semaphore_mem>>
        %dma_start3A_204 = arith.constant 0 : i32
        %dma_start3A_205 = arith.constant 0 : i32
        %dma_start3A_206 = tpu.memref_slice %arg20[%dma_start3A_204, %dma_start3A_205] : memref<10112x128xf32, #tpu.memory_space<vmem_shared>> -> memref<10112x128xf32, #tpu.memory_space<vmem_shared>>
        tpu.enqueue_indirect_dma source(%arg13 : memref<128x128xf32, #tpu.memory_space<vmem>>) target(%dma_start3A_206 : memref<10112x128xf32, #tpu.memory_space<vmem_shared>>) offsets(%arg9 : memref<128xi32, #tpu.memory_space<vmem>>) semaphore(%run_scoped3A : memref<!tpu.dma_semaphore, #tpu.memory_space<semaphore_mem>>) {add = true}
        %dma_wait3A_207 = arith.constant 0 : i32
        %dma_wait3A_208 = arith.constant 0 : i32
        %dma_wait3A_209 = tpu.memref_slice %arg20[%dma_wait3A_207, %dma_wait3A_208] : memref<10112x128xf32, #tpu.memory_space<vmem_shared>> -> memref<10112x128xf32, #tpu.memory_space<vmem_shared>>
        tpu.wait_indirect_dma semaphore(%run_scoped3A : memref<!tpu.dma_semaphore, #tpu.memory_space<semaphore_mem>>) src(%arg13 : memref<128x128xf32, #tpu.memory_space<vmem>>) dst(%dma_wait3A_209 : memref<10112x128xf32, #tpu.memory_space<vmem_shared>>)
        tpu.yield
      }) : () -> ()
      %add3A_134 = arith.constant 4 : i32
      %add3A_135 = arith.addi %add3A_120, %add3A_134 : i32
      %lt3A_136 = arith.cmpi slt, %add3A_135, %select_n3A : i32
      %convert_element_type3A_137 = arith.extui %lt3A_136 : i1 to i32
      %cond3A_138 = arith.constant 0 : i32
      %cond3A_139 = arith.cmpi ne, %convert_element_type3A_137, %cond3A_138 : i32
      scf.if %cond3A_139 {
        %add3A_204 = arith.addi %add3A, %add3A_120 : i32
        %add3A_205 = arith.constant 4 : i32
        %add3A_206 = arith.addi %add3A_204, %add3A_205 : i32
        %dma_start3A_207 = arith.constant 0 : i32
        %dma_start3A_208 = tpu.memref_slice %arg4[%add3A_206, %dma_start3A_207] : memref<2560x128xi32, #tpu.memory_space<hbm>> -> memref<1x128xi32, #tpu.memory_space<hbm>>
        %dma_start3A_209 = tpu.memref_squeeze %dma_start3A_208 : memref<1x128xi32, #tpu.memory_space<hbm>> -> memref<128xi32, #tpu.memory_space<hbm>>
        %dma_start3A_210 = arith.constant 0 : i32
        %dma_start3A_211 = tpu.memref_slice %arg4[%add3A_206, %dma_start3A_210] : memref<2560x128xi32, #tpu.memory_space<hbm>> -> memref<1x128xi32, #tpu.memory_space<hbm>>
        %dma_start3A_212 = tpu.memref_squeeze %dma_start3A_211 : memref<1x128xi32, #tpu.memory_space<hbm>> -> memref<128xi32, #tpu.memory_space<hbm>>
        tpu.enqueue_dma source(%dma_start3A_212 : memref<128xi32, #tpu.memory_space<hbm>>) target(%arg9 : memref<128xi32, #tpu.memory_space<vmem>>) target_semaphore(%arg17 : memref<!tpu.dma_semaphore, #tpu.memory_space<semaphore_mem>>)
      } else {
      }
      %add3A_140 = arith.constant 2 : i32
      %add3A_141 = arith.addi %add3A_120, %add3A_140 : i32
      %lt3A_142 = arith.cmpi slt, %add3A_141, %select_n3A : i32
      %convert_element_type3A_143 = arith.extui %lt3A_142 : i1 to i32
      %cond3A_144 = arith.constant 0 : i32
      %cond3A_145 = arith.cmpi ne, %convert_element_type3A_143, %cond3A_144 : i32
      scf.if %cond3A_145 {
        %add3A_204 = arith.constant 2 : i32
        %add3A_205 = arith.addi %add3A_120, %add3A_204 : i32
        %dma_start3A_206 = arith.constant 0 : i32
        %dma_start3A_207 = tpu.memref_slice %arg7[%add3A_205, %dma_start3A_206] : memref<120x128xi32, #tpu.memory_space<vmem>> -> memref<1x128xi32, #tpu.memory_space<vmem>>
        %dma_start3A_208 = tpu.memref_squeeze %dma_start3A_207 : memref<1x128xi32, #tpu.memory_space<vmem>> -> memref<128xi32, #tpu.memory_space<vmem>>
        %dma_start3A_209 = arith.constant 0 : i32
        %dma_start3A_210 = arith.constant 0 : i32
        %dma_start3A_211 = tpu.memref_slice %arg2[%dma_start3A_209, %dma_start3A_210] : memref<10000x128xf32, #tpu.memory_space<hbm>> -> memref<10000x128xf32, #tpu.memory_space<hbm>>
        tpu.enqueue_indirect_dma source(%dma_start3A_211 : memref<10000x128xf32, #tpu.memory_space<hbm>>) target(%arg13 : memref<128x128xf32, #tpu.memory_space<vmem>>) offsets(%dma_start3A_208 : memref<128xi32, #tpu.memory_space<vmem>>) semaphore(%arg15 : memref<!tpu.dma_semaphore, #tpu.memory_space<semaphore_mem>>)
      } else {
      }
      %mul3A_146 = arith.constant 4 : i32
      %mul3A_147 = arith.muli %mul3A_146, %while3A_89 : i32
      %add3A_148 = arith.constant 2 : i32
      %add3A_149 = arith.addi %mul3A_147, %add3A_148 : i32
      %dma_wait3A_150 = arith.constant 0 : i32
      %dma_wait3A_151 = tpu.memref_slice %arg7[%add3A_149, %dma_wait3A_150] : memref<120x128xi32, #tpu.memory_space<vmem>> -> memref<1x128xi32, #tpu.memory_space<vmem>>
      %dma_wait3A_152 = tpu.memref_squeeze %dma_wait3A_151 : memref<1x128xi32, #tpu.memory_space<vmem>> -> memref<128xi32, #tpu.memory_space<vmem>>
      %dma_wait3A_153 = arith.constant 0 : i32
      %dma_wait3A_154 = arith.constant 0 : i32
      %dma_wait3A_155 = tpu.memref_slice %arg2[%dma_wait3A_153, %dma_wait3A_154] : memref<10000x128xf32, #tpu.memory_space<hbm>> -> memref<10000x128xf32, #tpu.memory_space<hbm>>
      tpu.wait_indirect_dma semaphore(%arg14 : memref<!tpu.dma_semaphore, #tpu.memory_space<semaphore_mem>>) src(%dma_wait3A_155 : memref<10000x128xf32, #tpu.memory_space<hbm>>) dst(%arg12 : memref<128x128xf32, #tpu.memory_space<vmem>>)
      %add3A_156 = arith.addi %add3A, %add3A_149 : i32
      %dma_wait3A_157 = arith.constant 0 : i32
      %dma_wait3A_158 = tpu.memref_slice %arg4[%add3A_156, %dma_wait3A_157] : memref<2560x128xi32, #tpu.memory_space<hbm>> -> memref<1x128xi32, #tpu.memory_space<hbm>>
      %dma_wait3A_159 = tpu.memref_squeeze %dma_wait3A_158 : memref<1x128xi32, #tpu.memory_space<hbm>> -> memref<128xi32, #tpu.memory_space<hbm>>
      %dma_wait3A_160 = arith.constant 0 : i32
      %dma_wait3A_161 = tpu.memref_slice %arg4[%add3A_156, %dma_wait3A_160] : memref<2560x128xi32, #tpu.memory_space<hbm>> -> memref<1x128xi32, #tpu.memory_space<hbm>>
      %dma_wait3A_162 = tpu.memref_squeeze %dma_wait3A_161 : memref<1x128xi32, #tpu.memory_space<hbm>> -> memref<128xi32, #tpu.memory_space<hbm>>
      tpu.wait_dma2 semaphore(%arg18 : memref<!tpu.dma_semaphore, #tpu.memory_space<semaphore_mem>>) src(%dma_wait3A_162 : memref<128xi32, #tpu.memory_space<hbm>>) dst(%arg10 : memref<128xi32, #tpu.memory_space<vmem>>)
      "tpu.region"() ({
        %run_scoped3A = tpu.sem_alloc : memref<!tpu.dma_semaphore, #tpu.memory_space<semaphore_mem>>
        %dma_start3A_204 = arith.constant 0 : i32
        %dma_start3A_205 = arith.constant 0 : i32
        %dma_start3A_206 = tpu.memref_slice %arg20[%dma_start3A_204, %dma_start3A_205] : memref<10112x128xf32, #tpu.memory_space<vmem_shared>> -> memref<10112x128xf32, #tpu.memory_space<vmem_shared>>
        tpu.enqueue_indirect_dma source(%arg12 : memref<128x128xf32, #tpu.memory_space<vmem>>) target(%dma_start3A_206 : memref<10112x128xf32, #tpu.memory_space<vmem_shared>>) offsets(%arg10 : memref<128xi32, #tpu.memory_space<vmem>>) semaphore(%run_scoped3A : memref<!tpu.dma_semaphore, #tpu.memory_space<semaphore_mem>>) {add = true}
        %dma_wait3A_207 = arith.constant 0 : i32
        %dma_wait3A_208 = arith.constant 0 : i32
        %dma_wait3A_209 = tpu.memref_slice %arg20[%dma_wait3A_207, %dma_wait3A_208] : memref<10112x128xf32, #tpu.memory_space<vmem_shared>> -> memref<10112x128xf32, #tpu.memory_space<vmem_shared>>
        tpu.wait_indirect_dma semaphore(%run_scoped3A : memref<!tpu.dma_semaphore, #tpu.memory_space<semaphore_mem>>) src(%arg12 : memref<128x128xf32, #tpu.memory_space<vmem>>) dst(%dma_wait3A_209 : memref<10112x128xf32, #tpu.memory_space<vmem_shared>>)
        tpu.yield
      }) : () -> ()
      %add3A_163 = arith.constant 4 : i32
      %add3A_164 = arith.addi %add3A_149, %add3A_163 : i32
      %lt3A_165 = arith.cmpi slt, %add3A_164, %select_n3A : i32
      %convert_element_type3A_166 = arith.extui %lt3A_165 : i1 to i32
      %cond3A_167 = arith.constant 0 : i32
      %cond3A_168 = arith.cmpi ne, %convert_element_type3A_166, %cond3A_167 : i32
      scf.if %cond3A_168 {
        %add3A_204 = arith.addi %add3A, %add3A_149 : i32
        %add3A_205 = arith.constant 4 : i32
        %add3A_206 = arith.addi %add3A_204, %add3A_205 : i32
        %dma_start3A_207 = arith.constant 0 : i32
        %dma_start3A_208 = tpu.memref_slice %arg4[%add3A_206, %dma_start3A_207] : memref<2560x128xi32, #tpu.memory_space<hbm>> -> memref<1x128xi32, #tpu.memory_space<hbm>>
        %dma_start3A_209 = tpu.memref_squeeze %dma_start3A_208 : memref<1x128xi32, #tpu.memory_space<hbm>> -> memref<128xi32, #tpu.memory_space<hbm>>
        %dma_start3A_210 = arith.constant 0 : i32
        %dma_start3A_211 = tpu.memref_slice %arg4[%add3A_206, %dma_start3A_210] : memref<2560x128xi32, #tpu.memory_space<hbm>> -> memref<1x128xi32, #tpu.memory_space<hbm>>
        %dma_start3A_212 = tpu.memref_squeeze %dma_start3A_211 : memref<1x128xi32, #tpu.memory_space<hbm>> -> memref<128xi32, #tpu.memory_space<hbm>>
        tpu.enqueue_dma source(%dma_start3A_212 : memref<128xi32, #tpu.memory_space<hbm>>) target(%arg10 : memref<128xi32, #tpu.memory_space<vmem>>) target_semaphore(%arg18 : memref<!tpu.dma_semaphore, #tpu.memory_space<semaphore_mem>>)
      } else {
      }
      %add3A_169 = arith.constant 2 : i32
      %add3A_170 = arith.addi %add3A_149, %add3A_169 : i32
      %lt3A_171 = arith.cmpi slt, %add3A_170, %select_n3A : i32
      %convert_element_type3A_172 = arith.extui %lt3A_171 : i1 to i32
      %cond3A_173 = arith.constant 0 : i32
      %cond3A_174 = arith.cmpi ne, %convert_element_type3A_172, %cond3A_173 : i32
      scf.if %cond3A_174 {
        %add3A_204 = arith.constant 2 : i32
        %add3A_205 = arith.addi %add3A_149, %add3A_204 : i32
        %dma_start3A_206 = arith.constant 0 : i32
        %dma_start3A_207 = tpu.memref_slice %arg7[%add3A_205, %dma_start3A_206] : memref<120x128xi32, #tpu.memory_space<vmem>> -> memref<1x128xi32, #tpu.memory_space<vmem>>
        %dma_start3A_208 = tpu.memref_squeeze %dma_start3A_207 : memref<1x128xi32, #tpu.memory_space<vmem>> -> memref<128xi32, #tpu.memory_space<vmem>>
        %dma_start3A_209 = arith.constant 0 : i32
        %dma_start3A_210 = arith.constant 0 : i32
        %dma_start3A_211 = tpu.memref_slice %arg2[%dma_start3A_209, %dma_start3A_210] : memref<10000x128xf32, #tpu.memory_space<hbm>> -> memref<10000x128xf32, #tpu.memory_space<hbm>>
        tpu.enqueue_indirect_dma source(%dma_start3A_211 : memref<10000x128xf32, #tpu.memory_space<hbm>>) target(%arg12 : memref<128x128xf32, #tpu.memory_space<vmem>>) offsets(%dma_start3A_208 : memref<128xi32, #tpu.memory_space<vmem>>) semaphore(%arg14 : memref<!tpu.dma_semaphore, #tpu.memory_space<semaphore_mem>>)
      } else {
      }
      %mul3A_175 = arith.constant 4 : i32
      %mul3A_176 = arith.muli %mul3A_175, %while3A_89 : i32
      %add3A_177 = arith.constant 3 : i32
      %add3A_178 = arith.addi %mul3A_176, %add3A_177 : i32
      %dma_wait3A_179 = arith.constant 0 : i32
      %dma_wait3A_180 = tpu.memref_slice %arg7[%add3A_178, %dma_wait3A_179] : memref<120x128xi32, #tpu.memory_space<vmem>> -> memref<1x128xi32, #tpu.memory_space<vmem>>
      %dma_wait3A_181 = tpu.memref_squeeze %dma_wait3A_180 : memref<1x128xi32, #tpu.memory_space<vmem>> -> memref<128xi32, #tpu.memory_space<vmem>>
      %dma_wait3A_182 = arith.constant 0 : i32
      %dma_wait3A_183 = arith.constant 0 : i32
      %dma_wait3A_184 = tpu.memref_slice %arg2[%dma_wait3A_182, %dma_wait3A_183] : memref<10000x128xf32, #tpu.memory_space<hbm>> -> memref<10000x128xf32, #tpu.memory_space<hbm>>
      tpu.wait_indirect_dma semaphore(%arg15 : memref<!tpu.dma_semaphore, #tpu.memory_space<semaphore_mem>>) src(%dma_wait3A_184 : memref<10000x128xf32, #tpu.memory_space<hbm>>) dst(%arg13 : memref<128x128xf32, #tpu.memory_space<vmem>>)
      %add3A_185 = arith.addi %add3A, %add3A_178 : i32
      %dma_wait3A_186 = arith.constant 0 : i32
      %dma_wait3A_187 = tpu.memref_slice %arg4[%add3A_185, %dma_wait3A_186] : memref<2560x128xi32, #tpu.memory_space<hbm>> -> memref<1x128xi32, #tpu.memory_space<hbm>>
      %dma_wait3A_188 = tpu.memref_squeeze %dma_wait3A_187 : memref<1x128xi32, #tpu.memory_space<hbm>> -> memref<128xi32, #tpu.memory_space<hbm>>
      %dma_wait3A_189 = arith.constant 0 : i32
      %dma_wait3A_190 = tpu.memref_slice %arg4[%add3A_185, %dma_wait3A_189] : memref<2560x128xi32, #tpu.memory_space<hbm>> -> memref<1x128xi32, #tpu.memory_space<hbm>>
      %dma_wait3A_191 = tpu.memref_squeeze %dma_wait3A_190 : memref<1x128xi32, #tpu.memory_space<hbm>> -> memref<128xi32, #tpu.memory_space<hbm>>
      tpu.wait_dma2 semaphore(%arg19 : memref<!tpu.dma_semaphore, #tpu.memory_space<semaphore_mem>>) src(%dma_wait3A_191 : memref<128xi32, #tpu.memory_space<hbm>>) dst(%arg11 : memref<128xi32, #tpu.memory_space<vmem>>)
      "tpu.region"() ({
        %run_scoped3A = tpu.sem_alloc : memref<!tpu.dma_semaphore, #tpu.memory_space<semaphore_mem>>
        %dma_start3A_204 = arith.constant 0 : i32
        %dma_start3A_205 = arith.constant 0 : i32
        %dma_start3A_206 = tpu.memref_slice %arg20[%dma_start3A_204, %dma_start3A_205] : memref<10112x128xf32, #tpu.memory_space<vmem_shared>> -> memref<10112x128xf32, #tpu.memory_space<vmem_shared>>
        tpu.enqueue_indirect_dma source(%arg13 : memref<128x128xf32, #tpu.memory_space<vmem>>) target(%dma_start3A_206 : memref<10112x128xf32, #tpu.memory_space<vmem_shared>>) offsets(%arg11 : memref<128xi32, #tpu.memory_space<vmem>>) semaphore(%run_scoped3A : memref<!tpu.dma_semaphore, #tpu.memory_space<semaphore_mem>>) {add = true}
        %dma_wait3A_207 = arith.constant 0 : i32
        %dma_wait3A_208 = arith.constant 0 : i32
        %dma_wait3A_209 = tpu.memref_slice %arg20[%dma_wait3A_207, %dma_wait3A_208] : memref<10112x128xf32, #tpu.memory_space<vmem_shared>> -> memref<10112x128xf32, #tpu.memory_space<vmem_shared>>
        tpu.wait_indirect_dma semaphore(%run_scoped3A : memref<!tpu.dma_semaphore, #tpu.memory_space<semaphore_mem>>) src(%arg13 : memref<128x128xf32, #tpu.memory_space<vmem>>) dst(%dma_wait3A_209 : memref<10112x128xf32, #tpu.memory_space<vmem_shared>>)
        tpu.yield
      }) : () -> ()
      %add3A_192 = arith.constant 4 : i32
      %add3A_193 = arith.addi %add3A_178, %add3A_192 : i32
      %lt3A_194 = arith.cmpi slt, %add3A_193, %select_n3A : i32
      %convert_element_type3A_195 = arith.extui %lt3A_194 : i1 to i32
      %cond3A_196 = arith.constant 0 : i32
      %cond3A_197 = arith.cmpi ne, %convert_element_type3A_195, %cond3A_196 : i32
      scf.if %cond3A_197 {
        %add3A_204 = arith.addi %add3A, %add3A_178 : i32
        %add3A_205 = arith.constant 4 : i32
        %add3A_206 = arith.addi %add3A_204, %add3A_205 : i32
        %dma_start3A_207 = arith.constant 0 : i32
        %dma_start3A_208 = tpu.memref_slice %arg4[%add3A_206, %dma_start3A_207] : memref<2560x128xi32, #tpu.memory_space<hbm>> -> memref<1x128xi32, #tpu.memory_space<hbm>>
        %dma_start3A_209 = tpu.memref_squeeze %dma_start3A_208 : memref<1x128xi32, #tpu.memory_space<hbm>> -> memref<128xi32, #tpu.memory_space<hbm>>
        %dma_start3A_210 = arith.constant 0 : i32
        %dma_start3A_211 = tpu.memref_slice %arg4[%add3A_206, %dma_start3A_210] : memref<2560x128xi32, #tpu.memory_space<hbm>> -> memref<1x128xi32, #tpu.memory_space<hbm>>
        %dma_start3A_212 = tpu.memref_squeeze %dma_start3A_211 : memref<1x128xi32, #tpu.memory_space<hbm>> -> memref<128xi32, #tpu.memory_space<hbm>>
        tpu.enqueue_dma source(%dma_start3A_212 : memref<128xi32, #tpu.memory_space<hbm>>) target(%arg11 : memref<128xi32, #tpu.memory_space<vmem>>) target_semaphore(%arg19 : memref<!tpu.dma_semaphore, #tpu.memory_space<semaphore_mem>>)
      } else {
      }
      %add3A_198 = arith.constant 2 : i32
      %add3A_199 = arith.addi %add3A_178, %add3A_198 : i32
      %lt3A_200 = arith.cmpi slt, %add3A_199, %select_n3A : i32
      %convert_element_type3A_201 = arith.extui %lt3A_200 : i1 to i32
      %cond3A_202 = arith.constant 0 : i32
      %cond3A_203 = arith.cmpi ne, %convert_element_type3A_201, %cond3A_202 : i32
      scf.if %cond3A_203 {
        %add3A_204 = arith.constant 2 : i32
        %add3A_205 = arith.addi %add3A_178, %add3A_204 : i32
        %dma_start3A_206 = arith.constant 0 : i32
        %dma_start3A_207 = tpu.memref_slice %arg7[%add3A_205, %dma_start3A_206] : memref<120x128xi32, #tpu.memory_space<vmem>> -> memref<1x128xi32, #tpu.memory_space<vmem>>
        %dma_start3A_208 = tpu.memref_squeeze %dma_start3A_207 : memref<1x128xi32, #tpu.memory_space<vmem>> -> memref<128xi32, #tpu.memory_space<vmem>>
        %dma_start3A_209 = arith.constant 0 : i32
        %dma_start3A_210 = arith.constant 0 : i32
        %dma_start3A_211 = tpu.memref_slice %arg2[%dma_start3A_209, %dma_start3A_210] : memref<10000x128xf32, #tpu.memory_space<hbm>> -> memref<10000x128xf32, #tpu.memory_space<hbm>>
        tpu.enqueue_indirect_dma source(%dma_start3A_211 : memref<10000x128xf32, #tpu.memory_space<hbm>>) target(%arg13 : memref<128x128xf32, #tpu.memory_space<vmem>>) offsets(%dma_start3A_208 : memref<128xi32, #tpu.memory_space<vmem>>) semaphore(%arg15 : memref<!tpu.dma_semaphore, #tpu.memory_space<semaphore_mem>>)
      } else {
      }
    }
    %barrier3A_86 = arith.constant 0 : index
    tpu.barrier barrier_id(%barrier3A_86)
    %mul3A_87 = arith.constant 632 : i32
    %mul3A_88 = arith.muli %arg1, %mul3A_87 : i32
    "tpu.region"() ({
      %run_scoped3A = tpu.sem_alloc : memref<!tpu.dma_semaphore, #tpu.memory_space<semaphore_mem>>
      %dma_start3A_89 = arith.constant 0 : i32
      %dma_start3A_90 = tpu.memref_slice %arg6[%arg0, %mul3A_88, %dma_start3A_89] : memref<2x10112x128xf32, #tpu.memory_space<hbm>> -> memref<1x632x128xf32, #tpu.memory_space<hbm>>
      %dma_start3A_91 = tpu.memref_squeeze %dma_start3A_90 : memref<1x632x128xf32, #tpu.memory_space<hbm>> -> memref<632x128xf32, #tpu.memory_space<hbm>>
      %dma_start3A_92 = arith.constant 0 : i32
      %dma_start3A_93 = tpu.memref_slice %arg20[%mul3A_88, %dma_start3A_92] : memref<10112x128xf32, #tpu.memory_space<vmem_shared>> -> memref<632x128xf32, #tpu.memory_space<vmem_shared>>
      tpu.enqueue_dma source(%dma_start3A_93 : memref<632x128xf32, #tpu.memory_space<vmem_shared>>) target(%dma_start3A_91 : memref<632x128xf32, #tpu.memory_space<hbm>>) target_semaphore(%run_scoped3A : memref<!tpu.dma_semaphore, #tpu.memory_space<semaphore_mem>>)
      %dma_wait3A = arith.constant 0 : i32
      %dma_wait3A_94 = tpu.memref_slice %arg6[%arg0, %mul3A_88, %dma_wait3A] : memref<2x10112x128xf32, #tpu.memory_space<hbm>> -> memref<1x632x128xf32, #tpu.memory_space<hbm>>
      %dma_wait3A_95 = tpu.memref_squeeze %dma_wait3A_94 : memref<1x632x128xf32, #tpu.memory_space<hbm>> -> memref<632x128xf32, #tpu.memory_space<hbm>>
      %dma_wait3A_96 = arith.constant 0 : i32
      %dma_wait3A_97 = tpu.memref_slice %arg20[%mul3A_88, %dma_wait3A_96] : memref<10112x128xf32, #tpu.memory_space<vmem_shared>> -> memref<632x128xf32, #tpu.memory_space<vmem_shared>>
      tpu.wait_dma2 semaphore(%run_scoped3A : memref<!tpu.dma_semaphore, #tpu.memory_space<semaphore_mem>>) src(%dma_wait3A_97 : memref<632x128xf32, #tpu.memory_space<vmem_shared>>) dst(%dma_wait3A_95 : memref<632x128xf32, #tpu.memory_space<hbm>>)
      tpu.yield
    }) : () -> ()
    return
  }
}

module attributes {stable_mosaic.version = 14 : i64} {
  func.func @_mm_body(%arg0: i32, %arg1: memref<400x128xf32, #tpu.memory_space<vmem>>, %arg2: memref<128x128xf32, #tpu.memory_space<vmem>>, %arg3: memref<400x1xf32, #tpu.memory_space<vmem>>, %arg4: memref<400x1xf32, #tpu.memory_space<vmem>>, %arg5: memref<400x128xf32, #tpu.memory_space<vmem>>) attributes {dimension_semantics = [#tpu.dimension_semantics<arbitrary>], iteration_bounds = array<i64: 25>, scalar_prefetch = 0 : i64, scratch_operands = 0 : i64, tpu.core_type = #tpu.core_type<tc>, window_params = [{transform_indices = @transform_0, window_bounds = array<i64: 400, 128>}, {pipeline_mode = #tpu.pipeline_mode<synchronous>, transform_indices = @transform_1, window_bounds = array<i64: 128, 128>}, {transform_indices = @transform_2, window_bounds = array<i64: 400, 1>}, {transform_indices = @transform_3, window_bounds = array<i64: 400, 1>}, {transform_indices = @transform_4, window_bounds = array<i64: 400, 128>}]} {
    %get3A = arith.constant 0 : index
    %get3A_0 = arith.constant 0 : index
    %get3A_1 = vector.load %arg1[%get3A, %get3A_0] : memref<400x128xf32, #tpu.memory_space<vmem>>, vector<400x128xf32>
    %get3A_2 = arith.constant 0 : index
    %get3A_3 = arith.constant 0 : index
    %get3A_4 = vector.load %arg2[%get3A_2, %get3A_3] : memref<128x128xf32, #tpu.memory_space<vmem>>, vector<128x128xf32>
    %dot_general3A = arith.constant dense<0.000000e+00> : vector<400x128xf32>
    %dot_general3A_5 = tpu.matmul %get3A_1, %get3A_4, %dot_general3A {dimension_numbers = #tpu.dot_dimension_numbers<[1], [0], [0], [1], [0, 0, 1, 1], [], []>, transpose_lhs_hint = false} : vector<400x128xf32>, vector<128x128xf32>, vector<400x128xf32> -> vector<400x128xf32>
    %get3A_6 = arith.constant 0 : index
    %get3A_7 = arith.constant 0 : index
    %get3A_8 = vector.load %arg3[%get3A_6, %get3A_7] : memref<400x1xf32, #tpu.memory_space<vmem>>, vector<400x1xf32>
    %get3A_9 = arith.constant 0 : index
    %get3A_10 = arith.constant 0 : index
    %get3A_11 = vector.load %arg4[%get3A_9, %get3A_10] : memref<400x1xf32, #tpu.memory_space<vmem>>, vector<400x1xf32>
    %add3A = arith.addf %get3A_8, %get3A_11 : vector<400x1xf32>
    %add3A_12 = arith.constant 1.000000e+00 : f32
    %add3A_13 = vector.broadcast %add3A_12 : f32 to vector<400x1xf32>
    %add3A_14 = arith.addf %add3A, %add3A_13 : vector<400x1xf32>
    %rsqrt3A = math.rsqrt %add3A_14 : vector<400x1xf32>
    %mul3A = vector.broadcast %rsqrt3A : vector<400x1xf32> to vector<400x128xf32>
    %mul3A_15 = arith.mulf %dot_general3A_5, %mul3A : vector<400x128xf32>
    %swap3A = arith.constant 0 : index
    %swap3A_16 = arith.constant 0 : index
    %swap3A_17 = vector.load %arg5[%swap3A, %swap3A_16] : memref<400x128xf32, #tpu.memory_space<vmem>>, vector<400x128xf32>
    tpu.vector_store %arg5[%swap3A, %swap3A_16], %mul3A_15 {strides = array<i32>} : memref<400x128xf32, #tpu.memory_space<vmem>>, vector<400x128xf32>,
    return
  }
  func.func @transform_0(%arg0: i32) -> (i32, i32) {
    %c0_i32 = arith.constant 0 : i32
    %c0_i32_0 = arith.constant 0 : i32
    return %arg0, %c0_i32 : i32, i32
  }
  func.func @transform_1(%arg0: i32) -> (i32, i32) {
    %c0_i32 = arith.constant 0 : i32
    %c0_i32_0 = arith.constant 0 : i32
    %c0_i32_1 = arith.constant 0 : i32
    return %c0_i32, %c0_i32_0 : i32, i32
  }
  func.func @transform_2(%arg0: i32) -> (i32, i32) {
    %c0_i32 = arith.constant 0 : i32
    %c0_i32_0 = arith.constant 0 : i32
    return %arg0, %c0_i32 : i32, i32
  }
  func.func @transform_3(%arg0: i32) -> (i32, i32) {
    %c0_i32 = arith.constant 0 : i32
    %c0_i32_0 = arith.constant 0 : i32
    return %arg0, %c0_i32 : i32, i32
  }
  func.func @transform_4(%arg0: i32) -> (i32, i32) {
    %c0_i32 = arith.constant 0 : i32
    %c0_i32_0 = arith.constant 0 : i32
    return %arg0, %c0_i32 : i32, i32
  }
}

module attributes {stable_mosaic.version = 14 : i64} {
  func.func @_fin_body(%arg0: i32, %arg1: memref<400x128xf32, #tpu.memory_space<vmem>>, %arg2: memref<400x128xf32, #tpu.memory_space<vmem>>, %arg3: memref<400x128xf32, #tpu.memory_space<vmem>>, %arg4: memref<400x1xf32, #tpu.memory_space<vmem>>, %arg5: memref<400x1xf32, #tpu.memory_space<vmem>>, %arg6: memref<1x128xf32, #tpu.memory_space<vmem>>, %arg7: memref<400x128xf32, #tpu.memory_space<vmem>>) attributes {dimension_semantics = [#tpu.dimension_semantics<arbitrary>], iteration_bounds = array<i64: 25>, scalar_prefetch = 0 : i64, scratch_operands = 0 : i64, tpu.core_type = #tpu.core_type<tc>, window_params = [{transform_indices = @transform_0, window_bounds = array<i64: 400, 128>}, {transform_indices = @transform_1, window_bounds = array<i64: 400, 128>}, {transform_indices = @transform_2, window_bounds = array<i64: 400, 128>}, {transform_indices = @transform_3, window_bounds = array<i64: 400, 1>}, {transform_indices = @transform_4, window_bounds = array<i64: 400, 1>}, {pipeline_mode = #tpu.pipeline_mode<synchronous>, transform_indices = @transform_5, window_bounds = array<i64: 1, 128>}, {transform_indices = @transform_6, window_bounds = array<i64: 400, 128>}]} {
    %get3A = arith.constant 0 : index
    %get3A_0 = arith.constant 0 : index
    %get3A_1 = vector.load %arg4[%get3A, %get3A_0] : memref<400x1xf32, #tpu.memory_space<vmem>>, vector<400x1xf32>
    %get3A_2 = arith.constant 0 : index
    %get3A_3 = arith.constant 0 : index
    %get3A_4 = vector.load %arg5[%get3A_2, %get3A_3] : memref<400x1xf32, #tpu.memory_space<vmem>>, vector<400x1xf32>
    %add3A = arith.addf %get3A_1, %get3A_4 : vector<400x1xf32>
    %add3A_5 = arith.constant 1.000000e+00 : f32
    %add3A_6 = vector.broadcast %add3A_5 : f32 to vector<400x1xf32>
    %add3A_7 = arith.addf %add3A, %add3A_6 : vector<400x1xf32>
    %rsqrt3A = math.rsqrt %add3A_7 : vector<400x1xf32>
    %get3A_8 = arith.constant 0 : index
    %get3A_9 = arith.constant 0 : index
    %get3A_10 = vector.load %arg1[%get3A_8, %get3A_9] : memref<400x128xf32, #tpu.memory_space<vmem>>, vector<400x128xf32>
    %get3A_11 = arith.constant 0 : index
    %get3A_12 = arith.constant 0 : index
    %get3A_13 = vector.load %arg2[%get3A_11, %get3A_12] : memref<400x128xf32, #tpu.memory_space<vmem>>, vector<400x128xf32>
    %add3A_14 = arith.addf %get3A_10, %get3A_13 : vector<400x128xf32>
    %get3A_15 = arith.constant 0 : index
    %get3A_16 = arith.constant 0 : index
    %get3A_17 = vector.load %arg3[%get3A_15, %get3A_16] : memref<400x128xf32, #tpu.memory_space<vmem>>, vector<400x128xf32>
    %add3A_18 = arith.addf %add3A_14, %get3A_17 : vector<400x128xf32>
    %mul3A = vector.broadcast %rsqrt3A : vector<400x1xf32> to vector<400x128xf32>
    %mul3A_19 = arith.mulf %mul3A, %add3A_18 : vector<400x128xf32>
    %get3A_20 = arith.constant 0 : index
    %get3A_21 = arith.constant 0 : index
    %get3A_22 = vector.load %arg6[%get3A_20, %get3A_21] : memref<1x128xf32, #tpu.memory_space<vmem>>, vector<1x128xf32>
    %add3A_23 = vector.broadcast %get3A_22 : vector<1x128xf32> to vector<400x128xf32>
    %add3A_24 = arith.addf %mul3A_19, %add3A_23 : vector<400x128xf32>
    %swap3A = arith.constant 0 : index
    %swap3A_25 = arith.constant 0 : index
    %swap3A_26 = vector.load %arg7[%swap3A, %swap3A_25] : memref<400x128xf32, #tpu.memory_space<vmem>>, vector<400x128xf32>
    tpu.vector_store %arg7[%swap3A, %swap3A_25], %add3A_24 {strides = array<i32>} : memref<400x128xf32, #tpu.memory_space<vmem>>, vector<400x128xf32>,
    return
  }
  func.func @transform_0(%arg0: i32) -> (i32, i32) {
    %c0_i32 = arith.constant 0 : i32
    %c0_i32_0 = arith.constant 0 : i32
    return %arg0, %c0_i32 : i32, i32
  }
  func.func @transform_1(%arg0: i32) -> (i32, i32) {
    %c0_i32 = arith.constant 0 : i32
    %c0_i32_0 = arith.constant 0 : i32
    return %arg0, %c0_i32 : i32, i32
  }
  func.func @transform_2(%arg0: i32) -> (i32, i32) {
    %c0_i32 = arith.constant 0 : i32
    %c0_i32_0 = arith.constant 0 : i32
    return %arg0, %c0_i32 : i32, i32
  }
  func.func @transform_3(%arg0: i32) -> (i32, i32) {
    %c0_i32 = arith.constant 0 : i32
    %c0_i32_0 = arith.constant 0 : i32
    return %arg0, %c0_i32 : i32, i32
  }
  func.func @transform_4(%arg0: i32) -> (i32, i32) {
    %c0_i32 = arith.constant 0 : i32
    %c0_i32_0 = arith.constant 0 : i32
    return %arg0, %c0_i32 : i32, i32
  }
  func.func @transform_5(%arg0: i32) -> (i32, i32) {
    %c0_i32 = arith.constant 0 : i32
    %c0_i32_0 = arith.constant 0 : i32
    %c0_i32_1 = arith.constant 0 : i32
    return %c0_i32, %c0_i32_0 : i32, i32
  }
  func.func @transform_6(%arg0: i32) -> (i32, i32) {
    %c0_i32 = arith.constant 0 : i32
    %c0_i32_0 = arith.constant 0 : i32
    return %arg0, %c0_i32 : i32, i32
  }
}

</mosaic_0001>

<sc_bundles>
// kernel: kernel.6.cloned.1.call-start
scs
__scs_entry_jumppad:
0x0: {  	(pc) =	sbr.rel $0x88, $3  }
0x1: {  	(tag) =	ssettag $0x0;
	lr =	simm.s32 $0x1  }
0x2: {  	[smem:$0x3F9D] =	sst lr;
	_ =	strace $0xD0000000  }
0x3: {  	_ = 	snop  }
0x4: {  	_ = 	snop  }
0x5: {  	_ = 	snop  }
0x6: {  	_ = 	snop  }
0x7: {  	_ = 	snop  }
__scs_overlays_trampoline_lowered:
0x8: {  	[smem:$0x3FAC] =	sst s0  }
0x9: {  	[smem:$0x3FAD] =	sst s1  }
0xa: {  	[smem:$0x3FAE] =	sst s2  }
0xb: {  	[smem:$0x3FAF] =	sst s3  }
0xc: {  	[smem:$0x3FB0] =	sst s4  }
0xd: {  	[smem:$0x3FB1] =	sst s5  }
0xe: {  	[smem:$0x3FB2] =	sst s6  }
0xf: {  	[smem:$0x3FB3] =	sst s7  }
0x10: {  	[smem:$0x3FB4] =	sst s8  }
0x11: {  	[smem:$0x3FB5] =	sst s9;
	s0 =	simm.s32 @!p0 $0x0  }
0x12: {  	s1 =	sld [smem:$0x3F9B];
	s0 =	simm.s32 @p0 $0x1  }
0x13: {  	[smem:$0x3FB6] =	sst s0;
	s0 =	simm.s32 @!p1 $0x0  }
0x14: {  	s2 =	sld [smem:$0x3F9A];
	s0 =	simm.s32 @p1 $0x1  }
0x15: {  	[smem:$0x3FB7] =	sst s0;
	s0 =	simm.s32 @!p2 $0x0  }
0x16: {  	s3 =	sld [smem:$0x3FDB];
	s0 =	simm.s32 @p2 $0x1  }
0x17: {  	s4 =	simm.s32 $0x1BF5;
	[smem:$0x3FB9] =	sst s0  }
0x18: {  	s0 =	sld [smem:$0x3F9C];
	_ =	swait.ge [sflag:s4], $0x0  }
0x19: {  	s7 =	sld [smem:$0x3F9D]  }
0x1a: {  	s8 =	sadd.s32 $0xFFFFE003, lr  }
0x1b: {  	s9 =	sadd.s32 $0xFFFFFEF7, lr;
	s5 =	simm.s32 $0xFFFFFFFF;
	p2 =	slt.u32 s8, $0xFFFFF086  }
0x1c: {  	p1 =	slt.u32 s9, $0xF7A;
	s5 =	simm.s32 @!p2 $0x0  }
0x1d: {  	s5 =	simm.s32 @p1 $0x1;
	p0 =	seq.s32 s7, s2  }
0x1e: {  	s7 =	smul.u32 @!p0 $0xF7A, s2;
	p2 =	seq.s32 @!p0 s5, $0x0  }
0x1f: {  	s9 =	smul.u32 $0xF7A, s1;
	s8 =	simm.s32 @!p0 $0x1BF5;
	p2 =	por !p2, p0  }
0x20: {  	[sflag:s8] =	ssyncset.s32 @!p0 $0xFFFFF086;
	s6 =	sadd.s32 @!p0 s3, s7;
	s7 =	simm.s32 @!p0 $0x108  }
0x21: {  	s3 =	sadd.s32 s3, s9;
	s6 =	sadd.s32 @!p0 $0x88, s6;
	s7 =	simm.s32 @p2 $0x1082  }
0x22: {  	[simem:s7], [sflag:s8] =	dma.local @!p0 [hbm:s6], $0xF7A  }
0x23: {  	s9 =	sor.u32 $0xD0000000, s2;
	s6 =	simm.s32 $0x108;
	_ =	swait.ge @!p0 [sflag:s8], $0x0  }
0x24: {  	s3 =	sadd.s32 $0x88, s3;
	s6 =	simm.s32 @!p1 $0x1082;
	[sflag:s4] =	ssyncset.s32 $0xFFFFF086  }
0x25: {  	[simem:s6], [sflag:s4] =	dma.local [hbm:s3], $0xF7A  }
0x26: {  	[smem:$0x3F9D] =	sst s1;
	(tag) =	ssettag s2;
	_ =	strace s9  }
0x27: {  	s1 =	sld [smem:$0x3FAD]  }
0x28: {  	s2 =	sld [smem:$0x3FAE]  }
0x29: {  	s4 =	sld [smem:$0x3FB0]  }
0x2a: {  	p0 =	seq.s32 s5, $0x0;
	s5 =	sld [smem:$0x3FB1]  }
0x2b: {  	s6 =	sld [smem:$0x3FB2]  }
0x2c: {  	s7 =	sld [smem:$0x3FB3]  }
0x2d: {  	s3 =	simm.s32 $0x108;
	s8 =	sld [smem:$0x3FB4]  }
0x2e: {  	s3 =	simm.s32 @!p0 $0x1082;
	s9 =	sld [smem:$0x3FB5]  }
0x2f: {  	lr =	sadd.s32 s0, s3;
	s0 =	sld [smem:$0x3FAC]  }
0x30: {  	s3 =	sld [smem:$0x3FAF]  }
0x31: {  	[smem:$0x3FB8] =	sst s10  }
0x32: {  	s10 =	sld [smem:$0x3FB6];
	_ =	sdelay $0x3  }
0x33: {  	p0 =	seq.s32 s10, $0x1;
	s10 =	sld [smem:$0x3FB8];
	_ =	sdelay $0x3  }
0x34: {  	[smem:$0x3FB8] =	sst s10  }
0x35: {  	s10 =	sld [smem:$0x3FB7];
	_ =	sdelay $0x3  }
0x36: {  	p1 =	seq.s32 s10, $0x1;
	s10 =	sld [smem:$0x3FB8];
	_ =	sdelay $0x3  }
0x37: {  	[smem:$0x3FB8] =	sst s10  }
0x38: {  	s10 =	sld [smem:$0x3FB9]  }
0x39: {  	_ = 	snop;
	(pc) =	sbr.ind lr, $3  }
0x3a: {  	_ = 	snop  }
0x3b: {  	_ = 	snop  }
0x3c: {  	p2 =	seq.s32 s10, $0x1;
	s10 =	sld [smem:$0x3FB8]  }
0x3d: {  	_ =	shalt  }
0x3e: {  	_ =	shalt  }
0x3f: {  	_ =	shalt  }
0x40: {  	_ =	shalt  }
0x41: {  	_ =	shalt  }
0x42: {  	_ =	shalt  }
0x43: {  	_ =	shalt  }
0x44: {  	_ =	shalt  }
0x45: {  	_ =	shalt  }
0x46: {  	_ =	shalt  }
0x47: {  	_ =	shalt  }
0x48: {  	_ =	shalt  }
0x49: {  	_ =	shalt  }
0x4a: {  	_ =	shalt  }
0x4b: {  	_ =	shalt  }
0x4c: {  	_ =	shalt  }
0x4d: {  	_ =	shalt  }
0x4e: {  	_ =	shalt  }
0x4f: {  	_ =	shalt  }
0x50: {  	_ =	shalt  }
0x51: {  	_ =	shalt  }
0x52: {  	_ =	shalt  }
0x53: {  	_ =	shalt  }
0x54: {  	_ =	shalt  }
0x55: {  	_ =	shalt  }
0x56: {  	_ =	shalt  }
0x57: {  	_ =	shalt  }
0x58: {  	_ =	shalt  }
0x59: {  	_ =	shalt  }
0x5a: {  	_ =	shalt  }
0x5b: {  	_ =	shalt  }
0x5c: {  	_ =	shalt  }
0x5d: {  	_ =	shalt  }
0x5e: {  	_ =	shalt  }
0x5f: {  	_ =	shalt  }
0x60: {  	_ =	shalt  }
0x61: {  	_ =	shalt  }
0x62: {  	_ =	shalt  }
0x63: {  	_ =	shalt  }
0x64: {  	_ =	shalt  }
0x65: {  	_ =	shalt  }
0x66: {  	_ =	shalt  }
0x67: {  	_ =	shalt  }
0x68: {  	_ =	shalt  }
0x69: {  	_ =	shalt  }
0x6a: {  	_ =	shalt  }
0x6b: {  	_ =	shalt  }
0x6c: {  	_ =	shalt  }
0x6d: {  	_ =	shalt  }
0x6e: {  	_ =	shalt  }
0x6f: {  	_ =	shalt  }
0x70: {  	_ =	shalt  }
0x71: {  	_ =	shalt  }
0x72: {  	_ =	shalt  }
0x73: {  	_ =	shalt  }
0x74: {  	_ =	shalt  }
0x75: {  	_ =	shalt  }
0x76: {  	_ =	shalt  }
0x77: {  	_ =	shalt  }
0x78: {  	_ =	shalt  }
0x79: {  	_ =	shalt  }
0x7a: {  	_ =	shalt  }
0x7b: {  	_ =	shalt  }
0x7c: {  	_ =	shalt  }
0x7d: {  	_ =	shalt  }
0x7e: {  	_ =	shalt  }
0x7f: {  	_ =	shalt  }
0x80: {  	_ =	shalt  }
0x81: {  	_ =	shalt  }
0x82: {  	_ =	shalt  }
0x83: {  	_ =	shalt  }
0x84: {  	_ =	shalt  }
0x85: {  	_ =	shalt  }
0x86: {  	_ =	shalt  }
0x87: {  	_ =	shalt  }
.Lfunc_end0:
.L_simem_size_0:
called_computation_lowered:
.L_overlay_start_0:
0x88: {  	s2 =	sld [smem:$0x3FD9]  }
0x89: {  	s3 =	sld [smem:$0x3FFE];
	_ =	sdelay $0x1  }
0x8a: {  	s1 =	srdreg.scid  }
0x8b: {  	s0 =	sand.u32 $0x1, s1  }
0x8c: {  	s17 =	sshll.u32 s0, $0xA;
	s2 =	sadd.s32 s3, s2  }
0x8d: {  	s2 =	sadd.s32 s2, s17  }
0x8e: {  	[smem:$0x3FC4] =	sst s2  }
0x8f: {  	_ = 	snop  }
0x90: {  	s2 =	sld [smem:$0x3FD0];
	(tm) =	ssettm $0x1  }
0x91: {  	s18 =	sld [smem:$0x3FFB];
	_ =	sdelay $0x3  }
0x92: {  	_ =	strace s18  }
0x93: {  	s3 =	sld [smem:$0x3FFC];
	_ =	sdelay $0x3  }
0x94: {  	_ =	strace s3  }
0x95: {  	s3 =	sld [smem:$0x3FFD];
	_ =	sdelay $0x3  }
0x96: {  	_ =	strace s3  }
0x97: {  	_ =	strace $0x8FFFFFFF  }
0x98: {  	s19 =	sld [smem:$0x3FDB];
	_ =	sdelay $0x1  }
0x99: {  	s4 =	simm.s32 $_scs_section_size  }
0x9a: {  	s5 =	simm.s32 $_size__tile_overlayer_lowered;
	s6 =	simm.s32 $_tile_overlayer_lowered  }
0x9b: {  	s22 =	simm.s32 $0x1BFF;
	s21 =	sshll.u32 s6, $0x1;
	s3 =	sadd.s32 s4, s19  }
0x9c: {  	s7 =	simm.s32 $0x0;
	s20 =	sshll.u32 s5, $0x1;
	s5 =	sadd.s32 s21, s3  }
0x9d: {  	[timem:s7], [sflag:s22] =	dma.local [hbm:s5], s20  }
0x9e: {  	_ =	swait.ge [sflag:s22], s20  }
0x9f: {  	s4 =	ssub.s32 $0x0, s20;
	[sflag:s22] =	ssyncset.done $0x0  }
0xa0: {  	[sflag:s22] =	ssyncadd.s32 s4;
	_ =	sdelay $0x1  }
0xa1: {  	s23 =	simm.s32 $0x1B8B  }
0xa2: {  	_ =	swait.ge [sflag:s23], $0x1  }
0xa3: {  	[sflag:s23] =	ssyncset.done $0x0  }
0xa4: {  	s25 =	simm.s32 $0x1B8E;
	s24 =	sld [smem:$0x3FFE];
	[sflag:s23] =	ssyncadd.s32 $0xFFFFFFFF  }
0xa5: {  	s26 =	simm.s32 $execute0_lowered;
	[smem:$0x3FD2] =	sst s25  }
0xa6: {  	s5 =	sshll.u32 s26, $0x1;
	_ =	strace $0x80000046;
	[dreg:$0x1] =	wrdreg $0xFFFFFFFF  }
0xa7: {  	s28 =	simm.s32 $_size_execute0_lowered;
	s3 =	sadd.s32 s3, s5;
	[dreg:$0x0] =	wrdreg $0x0  }
0xa8: {  	s5 =	sshll.u32 s28, $0x1;
	[dreg:$0x2] =	wrdreg s3  }
0xa9: {  	[dreg:$0x3] =	wrdreg s5  }
0xaa: {  	[dreg:$0x4] =	wrdreg $0xC0  }
0xab: {  	_ =	task [dreg:s7], $0x5FFFF  }
0xac: {  	[dreg:$0x1] =	wrdreg $0xFFFFFFFF  }
0xad: {  	[dreg:$0x0] =	wrdreg $0x60  }
0xae: {  	[dreg:$0x2] =	wrdreg s2  }
0xaf: {  	[dreg:$0x3] =	wrdreg s24  }
0xb0: {  	[dreg:$0x4] =	wrdreg $0x68800  }
0xb1: {  	[dreg:$0x5] =	wrdreg $0x9  }
0xb2: {  	_ =	task.clear_ibuf [dreg:s7], $0x6FFFF;
	_ =	strace $0x90000046  }
0xb3: {  	s29 =	simm.s32 $0x9;
	_ =	strace $0x80000048  }
0xb4: {  	_ =	swait.ge [sflag:s29], $0x1  }
0xb5: {  	[sflag:s29] =	ssyncadd.s32 $0xFFFFFFFF  }
0xb6: {  	_ =	strace $0x90000048  }
0xb7: {  	_ =	sfence  }
0xb8: {  	s30 =	sld [smem:$0x0];
	_ =	sdelay $0x2  }
0xb9: {  	s31 =	sshll.u32 s1, $0xD;
	s1 =	sshrl.u32 s1, $0x2  }
0xba: {  	s3 =	sand.u32 $0x4000, s31;
	s1 =	sadd.s32 s1, s30  }
0xbb: {  	s0 =	sor.u32 s3, s0;
	s1 =	sshll.u32 s1, $0x11  }
0xbc: {  	s0 =	sor.u32 s1, s0  }
0xbd: {  	s0 =	sadd.s32 $0x8F2B, s0  }
0xbe: {  	[sflag:s0] =	ssyncadd.remote.s32 $0x1  }
0xbf: {  	_ =	sfence.sel $0xFFFF  }
0xc0: {  	[dreg:$0x0] =	wrdreg $0xFFFFFFFF;
	(pc) =	sbr.abs _section_cstart, $3  }
0xc1: {  	[dreg:$0x1] =	wrdreg $0xFFFFFFFF  }
0xc2: {  	_ =	task.clear_ibuf [dreg:s7], $0x2FFFF;
	_ =	strace $0x9FFFFFFF  }
0xc3: {  	(tm) =	ssettm $0x7FFFFFFF  }
tec
execute0_lowered:
.L_overlay_start_1:
0x0: {  	(tag) =	ssettag $0x1  }
0x1: {  	s7 =	rddreg [dreg:$0x0]  }
0x2: {  	s6 =	rddreg [dreg:$0x1]  }
0x3: {  	s1 =	rddreg [dreg:$0x2]  }
0x4: {  	s0 =	rddreg [dreg:$0x3];
	s2 =	simm.s32 $0x0  }
0x5: {  	s3 =	srdreg.scid;
	s13 =	simm.s32 $0x2800;
	s14 =	simm.s32 $0x80  }
0x6: {  	s15 =	simm.s32 $0x400;
	s16 =	simm.s32 $0x50;
	s17 =	simm.s32 $0x0  }
0x7: {  	[smem:$0x7FF] =	sst s2;
	s8 =	sand.u32 $0x1, s3;
	s3 =	stileid.u32  }
0x8: {  	s4 =	sadd.s32 $0x1600, s6;
	s5 =	sadd.s32 $0x1800, s6;
	_ =	strace $0x80000047  }
0x9: {  	s9 =	sshll.u32 s8, $0x4;
	s10 =	sshll.u32 s3, $0x7;
	s11 =	ssub.s32 $0x2, s8  }
0xa: {  	s30 =	sshll.u32 s3, $0xA;
	s8 =	sshll.u32 s8, $0xB;
	s9 =	sor.u32 s3, s9  }
0xb: {  	s31 =	sshll.u32 s3, $0x6;
	s6 =	sadd.s32 s10, s6;
	s9 =	sshrl.u32 s9, $0x3  }
0xc: {  	s12 =	sshrl.u32 s11, $0x1;
	s10 =	sand.u32 $0x380, s10;
	s9 =	smul.u32 $0x14000, s9  }
0xd: {  	s11 =	ssub.s32 s11, s12;
	s12 =	sadd.s32 s30, s1;
	s8 =	sadd.s32 s8, s6  }
0xe: {  	s6 =	sor.u32 $0x1C01, s31;
	s8 =	sadd.s32 $0x2000, s8;
	s9 =	sor.u32 s10, s9  }
0xf: {  	s10 =	sshrl.u32 s12, $0x3;
	s12 =	simm.s32 $0x2880;
	s9 =	sshrl.u32 s9, $0x3  }
0x10: {  	v0 =	vimm.f32 $1.000000000e+00;
	s7 =	sadd.s32 s7, s9;
	s9 =	smax.u32 s11, $0x1;
	s11 =	simm.s32 $0x1  }
.LBB2_1:
0x11: {  	[spmem:s10], [sflag:s6] =	dma.local [hbm:s5], $0x80  }
0x12: {  	_ =	swait.ge [sflag:s11], $0x80  }
0x13: {  	[sflag:s11] =	ssyncset.done $0x0  }
0x14: {  	[sflag:s11] =	ssyncadd.s32 $0xFFFFFF80  }
0x15: {  	[tilespmem:s12], [sflag:$0x1] =	stream.linear.gather [hbm4b:s5+s2], $0x4000, $0x38;
	[tilespmem:$0x6C80] =	vst v63  }
0x16: {  	_ =	swait.ge [sflag:s11], $0x4000  }
0x17: {  	[sflag:s11] =	ssyncset.done $0x0  }
0x18: {  	[sflag:s11] =	ssyncadd.s32 $0xFFFFC000  }
0x19: {  	[tilespmem:s13], [sflag:$0x1] =	stream.linear.gather [hbm4b:s4+s2], $0x80, $0x38;
	[tilespmem:$0x6C80] =	vst v63  }
0x1a: {  	_ =	swait.ge [sflag:s11], $0x80  }
0x1b: {  	[sflag:s11] =	ssyncset.done $0x0  }
0x1c: {  	[sflag:s11] =	ssyncadd.s32 $0xFFFFFF80  }
0x1d: {  	[tilespmem:s2], [sflag:$0x1] =	stream.strided.gather [hbm4b:s7+s14], $0x2800, s15, s14, $0x38;
	[tilespmem:$0x6C80] =	vst v63  }
0x1e: {  	_ =	swait.ge [sflag:s11], $0x2800  }
0x1f: {  	[sflag:s11] =	ssyncset.done $0x0  }
0x20: {  	[sflag:s11] =	ssyncadd.s32 $0xFFFFD800  }
0x21: {  	s19 =	simm.s32 $0x0;
	s18 =	simm.s32 $0x40;
	[bflag:$0x0] =	sbarrier.arrive $0xFFFF  }
.LBB2_2:
0x22: {  	p0 =	sne.s32 s18, $0x9FC0;
	v1 =	vld [tilespmem:s19+$0x0];
	_ =	sdelay $0x3  }
.Ltmp0:
0x23: {  	(pc) =	sbr.rel @p0 .LBB2_2-.Ltmp0, $2  }
0x24: {  	_ =	sdelay $0x2  }
0x25: {  	s19 =	sshra.s32 s18, $0x2;
	s18 =	sadd.s32 $0x40, s18;
	[tilespmem:v1+s12+$0x0] =	vst.idx.add.f32.msk $0xffff, v0  }
0x26: {  	v1 =	vld [tilespmem:s19+$0x0];
	_ =	sdelay $0x7  }
0x27: {  	[tilespmem:v1+s12+$0x0] =	vst.idx.add.f32.msk $0xffff, v0  }
0x28: {  	[spmem:s1] =	stream.indirect.scatter.add.f32 [tilespmem:s12], [sflag:$0x1], $0x80, s13, s16, $0xb8;
	[tilespmem:$0x6C80] =	vst v63  }
0x29: {  	_ =	swait.ge [sflag:s11], $0x2800  }
0x2a: {  	s17 =	sadd.s32 $0x1, s17;
	[sflag:s11] =	ssyncset.done $0x0  }
0x2b: {  	p0 =	sne.s32 s17, s9;
	[sflag:s11] =	ssyncadd.s32 $0xFFFFD800  }
.Ltmp1:
0x2c: {  	[bflag:$0x0] =	sbarrier.arrive $0xFFFF;
	(pc) =	sbr.rel @p0 .LBB2_1-.Ltmp1, $4  }
0x2d: {  	[hbm:s8], [sflag:s6] =	dma.local [spmem:s10], $0x80  }
0x2e: {  	_ =	swait.ge [sflag:s11], $0x80  }
0x2f: {  	[sflag:s11] =	ssyncset.done $0x0  }
0x30: {  	[sflag:s11] =	ssyncadd.s32 $0xFFFFFF80  }
0x31: {  	_ =	sfence.sel $0x180000  }
0x32: {  	[bflag:$0x0] =	sbarrier.arrive $0xFFFF  }
0x33: {  	p0 =	sne.s32 s3, $0x0;
	_ =	strace $0x90000047  }
0x34: {  	s0 =	sadd.s32 @!p0 $0x100000, s0;
	[bflag:$0x2] =	sbarrier.arrive $0xFFFF  }
0x35: {  	[sflag:s0] =	ssyncadd.tile.s32 @!p0 $0x1;
	_ =	shalt  }
.Lfunc_end2:
_tile_overlayer_lowered:
.L_overlay_start_2:
0x36: {  	(tag) =	ssettag $0x2  }
0x37: {  	s0 =	rddreg [dreg:$0x0];
	s2 =	stileid.u32  }
0x38: {  	s1 =	rddreg [dreg:$0x1];
	p0 =	sne.s32 s2, $0x0  }
0x39: {  	s3 =	rddreg [dreg:$0x2];
	[bflag:$0x3] =	sbarrier.arrive $0xFFFF;
	s2 =	simm.s32 @!p0 $0x1C01  }
0x3a: {  	[timem:s3], [sflag:s2] =	dma.local @!p0 [hbm:s0], s1  }
0x3b: {  	s0 =	simm.s32 @!p0 $0x1  }
0x3c: {  	_ =	swait.ge @!p0 [sflag:s0], s1  }
0x3d: {  	s1 =	ssub.s32 @!p0 $0x0, s1;
	[sflag:s0] =	ssyncset.done @!p0 $0x0  }
0x3e: {  	[sflag:s0] =	ssyncadd.s32 @!p0 s1  }
0x3f: {  	[bflag:$0x3] =	sbarrier.arrive $0xFFFF  }
0x40: {  	_ =	shalt  }

// kernel: kernel.9.cloned.1.call-start
scs
__scs_entry_jumppad:
0x0: {  	(pc) =	sbr.rel $0x88, $3  }
0x1: {  	(tag) =	ssettag $0x0;
	lr =	simm.s32 $0x1  }
0x2: {  	[smem:$0x3F9D] =	sst lr;
	_ =	strace $0xD0000000  }
0x3: {  	_ = 	snop  }
0x4: {  	_ = 	snop  }
0x5: {  	_ = 	snop  }
0x6: {  	_ = 	snop  }
0x7: {  	_ = 	snop  }
__scs_overlays_trampoline_lowered:
0x8: {  	[smem:$0x3FAC] =	sst s0  }
0x9: {  	[smem:$0x3FAD] =	sst s1  }
0xa: {  	[smem:$0x3FAE] =	sst s2  }
0xb: {  	[smem:$0x3FAF] =	sst s3  }
0xc: {  	[smem:$0x3FB0] =	sst s4  }
0xd: {  	[smem:$0x3FB1] =	sst s5  }
0xe: {  	[smem:$0x3FB2] =	sst s6  }
0xf: {  	[smem:$0x3FB3] =	sst s7  }
0x10: {  	[smem:$0x3FB4] =	sst s8  }
0x11: {  	[smem:$0x3FB5] =	sst s9;
	s0 =	simm.s32 @!p0 $0x0  }
0x12: {  	s1 =	sld [smem:$0x3F9B];
	s0 =	simm.s32 @p0 $0x1  }
0x13: {  	[smem:$0x3FB6] =	sst s0;
	s0 =	simm.s32 @!p1 $0x0  }
0x14: {  	s2 =	sld [smem:$0x3F9A];
	s0 =	simm.s32 @p1 $0x1  }
0x15: {  	[smem:$0x3FB7] =	sst s0;
	s0 =	simm.s32 @!p2 $0x0  }
0x16: {  	s3 =	sld [smem:$0x3FDB];
	s0 =	simm.s32 @p2 $0x1  }
0x17: {  	s4 =	simm.s32 $0x1BF5;
	[smem:$0x3FB9] =	sst s0  }
0x18: {  	s0 =	sld [smem:$0x3F9C];
	_ =	swait.ge [sflag:s4], $0x0  }
0x19: {  	s7 =	sld [smem:$0x3F9D]  }
0x1a: {  	s8 =	sadd.s32 $0xFFFFE003, lr  }
0x1b: {  	s9 =	sadd.s32 $0xFFFFFEF7, lr;
	s5 =	simm.s32 $0xFFFFFFFF;
	p2 =	slt.u32 s8, $0xFFFFF086  }
0x1c: {  	p1 =	slt.u32 s9, $0xF7A;
	s5 =	simm.s32 @!p2 $0x0  }
0x1d: {  	s5 =	simm.s32 @p1 $0x1;
	p0 =	seq.s32 s7, s2  }
0x1e: {  	s7 =	smul.u32 @!p0 $0xF7A, s2;
	p2 =	seq.s32 @!p0 s5, $0x0  }
0x1f: {  	s9 =	smul.u32 $0xF7A, s1;
	s8 =	simm.s32 @!p0 $0x1BF5;
	p2 =	por !p2, p0  }
0x20: {  	[sflag:s8] =	ssyncset.s32 @!p0 $0xFFFFF086;
	s6 =	sadd.s32 @!p0 s3, s7;
	s7 =	simm.s32 @!p0 $0x108  }
0x21: {  	s3 =	sadd.s32 s3, s9;
	s6 =	sadd.s32 @!p0 $0x88, s6;
	s7 =	simm.s32 @p2 $0x1082  }
0x22: {  	[simem:s7], [sflag:s8] =	dma.local @!p0 [hbm:s6], $0xF7A  }
0x23: {  	s9 =	sor.u32 $0xD0000000, s2;
	s6 =	simm.s32 $0x108;
	_ =	swait.ge @!p0 [sflag:s8], $0x0  }
0x24: {  	s3 =	sadd.s32 $0x88, s3;
	s6 =	simm.s32 @!p1 $0x1082;
	[sflag:s4] =	ssyncset.s32 $0xFFFFF086  }
0x25: {  	[simem:s6], [sflag:s4] =	dma.local [hbm:s3], $0xF7A  }
0x26: {  	[smem:$0x3F9D] =	sst s1;
	(tag) =	ssettag s2;
	_ =	strace s9  }
0x27: {  	s1 =	sld [smem:$0x3FAD]  }
0x28: {  	s2 =	sld [smem:$0x3FAE]  }
0x29: {  	s4 =	sld [smem:$0x3FB0]  }
0x2a: {  	p0 =	seq.s32 s5, $0x0;
	s5 =	sld [smem:$0x3FB1]  }
0x2b: {  	s6 =	sld [smem:$0x3FB2]  }
0x2c: {  	s7 =	sld [smem:$0x3FB3]  }
0x2d: {  	s3 =	simm.s32 $0x108;
	s8 =	sld [smem:$0x3FB4]  }
0x2e: {  	s3 =	simm.s32 @!p0 $0x1082;
	s9 =	sld [smem:$0x3FB5]  }
0x2f: {  	lr =	sadd.s32 s0, s3;
	s0 =	sld [smem:$0x3FAC]  }
0x30: {  	s3 =	sld [smem:$0x3FAF]  }
0x31: {  	[smem:$0x3FB8] =	sst s10  }
0x32: {  	s10 =	sld [smem:$0x3FB6];
	_ =	sdelay $0x3  }
0x33: {  	p0 =	seq.s32 s10, $0x1;
	s10 =	sld [smem:$0x3FB8];
	_ =	sdelay $0x3  }
0x34: {  	[smem:$0x3FB8] =	sst s10  }
0x35: {  	s10 =	sld [smem:$0x3FB7];
	_ =	sdelay $0x3  }
0x36: {  	p1 =	seq.s32 s10, $0x1;
	s10 =	sld [smem:$0x3FB8];
	_ =	sdelay $0x3  }
0x37: {  	[smem:$0x3FB8] =	sst s10  }
0x38: {  	s10 =	sld [smem:$0x3FB9]  }
0x39: {  	_ = 	snop;
	(pc) =	sbr.ind lr, $3  }
0x3a: {  	_ = 	snop  }
0x3b: {  	_ = 	snop  }
0x3c: {  	p2 =	seq.s32 s10, $0x1;
	s10 =	sld [smem:$0x3FB8]  }
0x3d: {  	_ =	shalt  }
0x3e: {  	_ =	shalt  }
0x3f: {  	_ =	shalt  }
0x40: {  	_ =	shalt  }
0x41: {  	_ =	shalt  }
0x42: {  	_ =	shalt  }
0x43: {  	_ =	shalt  }
0x44: {  	_ =	shalt  }
0x45: {  	_ =	shalt  }
0x46: {  	_ =	shalt  }
0x47: {  	_ =	shalt  }
0x48: {  	_ =	shalt  }
0x49: {  	_ =	shalt  }
0x4a: {  	_ =	shalt  }
0x4b: {  	_ =	shalt  }
0x4c: {  	_ =	shalt  }
0x4d: {  	_ =	shalt  }
0x4e: {  	_ =	shalt  }
0x4f: {  	_ =	shalt  }
0x50: {  	_ =	shalt  }
0x51: {  	_ =	shalt  }
0x52: {  	_ =	shalt  }
0x53: {  	_ =	shalt  }
0x54: {  	_ =	shalt  }
0x55: {  	_ =	shalt  }
0x56: {  	_ =	shalt  }
0x57: {  	_ =	shalt  }
0x58: {  	_ =	shalt  }
0x59: {  	_ =	shalt  }
0x5a: {  	_ =	shalt  }
0x5b: {  	_ =	shalt  }
0x5c: {  	_ =	shalt  }
0x5d: {  	_ =	shalt  }
0x5e: {  	_ =	shalt  }
0x5f: {  	_ =	shalt  }
0x60: {  	_ =	shalt  }
0x61: {  	_ =	shalt  }
0x62: {  	_ =	shalt  }
0x63: {  	_ =	shalt  }
0x64: {  	_ =	shalt  }
0x65: {  	_ =	shalt  }
0x66: {  	_ =	shalt  }
0x67: {  	_ =	shalt  }
0x68: {  	_ =	shalt  }
0x69: {  	_ =	shalt  }
0x6a: {  	_ =	shalt  }
0x6b: {  	_ =	shalt  }
0x6c: {  	_ =	shalt  }
0x6d: {  	_ =	shalt  }
0x6e: {  	_ =	shalt  }
0x6f: {  	_ =	shalt  }
0x70: {  	_ =	shalt  }
0x71: {  	_ =	shalt  }
0x72: {  	_ =	shalt  }
0x73: {  	_ =	shalt  }
0x74: {  	_ =	shalt  }
0x75: {  	_ =	shalt  }
0x76: {  	_ =	shalt  }
0x77: {  	_ =	shalt  }
0x78: {  	_ =	shalt  }
0x79: {  	_ =	shalt  }
0x7a: {  	_ =	shalt  }
0x7b: {  	_ =	shalt  }
0x7c: {  	_ =	shalt  }
0x7d: {  	_ =	shalt  }
0x7e: {  	_ =	shalt  }
0x7f: {  	_ =	shalt  }
0x80: {  	_ =	shalt  }
0x81: {  	_ =	shalt  }
0x82: {  	_ =	shalt  }
0x83: {  	_ =	shalt  }
0x84: {  	_ =	shalt  }
0x85: {  	_ =	shalt  }
0x86: {  	_ =	shalt  }
0x87: {  	_ =	shalt  }
.Lfunc_end0:
.L_simem_size_0:
called_computation.1_lowered:
.L_overlay_start_0:
0x88: {  	s2 =	sld [smem:$0x3FD9]  }
0x89: {  	s3 =	sld [smem:$0x3FFE];
	_ =	sdelay $0x1  }
0x8a: {  	s1 =	srdreg.scid  }
0x8b: {  	s0 =	sand.u32 $0x1, s1  }
0x8c: {  	s17 =	sshll.u32 s0, $0xA;
	s2 =	sadd.s32 s3, s2  }
0x8d: {  	s2 =	sadd.s32 s2, s17  }
0x8e: {  	[smem:$0x3FC4] =	sst s2  }
0x8f: {  	_ = 	snop  }
0x90: {  	s2 =	sld [smem:$0x3FD0];
	(tm) =	ssettm $0x1  }
0x91: {  	s18 =	sld [smem:$0x3FFB];
	_ =	sdelay $0x3  }
0x92: {  	_ =	strace s18  }
0x93: {  	s3 =	sld [smem:$0x3FFC];
	_ =	sdelay $0x3  }
0x94: {  	_ =	strace s3  }
0x95: {  	s3 =	sld [smem:$0x3FFD];
	_ =	sdelay $0x3  }
0x96: {  	_ =	strace s3  }
0x97: {  	_ =	strace $0x8FFFFFFF  }
0x98: {  	s19 =	sld [smem:$0x3FDB];
	_ =	sdelay $0x1  }
0x99: {  	s4 =	simm.s32 $_scs_section_size  }
0x9a: {  	s5 =	simm.s32 $_size__tile_overlayer_lowered;
	s6 =	simm.s32 $_tile_overlayer_lowered  }
0x9b: {  	s22 =	simm.s32 $0x1BFF;
	s21 =	sshll.u32 s6, $0x1;
	s3 =	sadd.s32 s4, s19  }
0x9c: {  	s7 =	simm.s32 $0x0;
	s20 =	sshll.u32 s5, $0x1;
	s5 =	sadd.s32 s21, s3  }
0x9d: {  	[timem:s7], [sflag:s22] =	dma.local [hbm:s5], s20  }
0x9e: {  	_ =	swait.ge [sflag:s22], s20  }
0x9f: {  	s4 =	ssub.s32 $0x0, s20;
	[sflag:s22] =	ssyncset.done $0x0  }
0xa0: {  	[sflag:s22] =	ssyncadd.s32 s4;
	_ =	sdelay $0x1  }
0xa1: {  	s23 =	simm.s32 $0x1B8B  }
0xa2: {  	_ =	swait.ge [sflag:s23], $0x1  }
0xa3: {  	[sflag:s23] =	ssyncset.done $0x0  }
0xa4: {  	s25 =	simm.s32 $0x1B8E;
	s24 =	sld [smem:$0x3FFE];
	[sflag:s23] =	ssyncadd.s32 $0xFFFFFFFF  }
0xa5: {  	s26 =	simm.s32 $execute0_lowered;
	[smem:$0x3FD2] =	sst s25  }
0xa6: {  	s5 =	sshll.u32 s26, $0x1;
	_ =	strace $0x80000049;
	[dreg:$0x1] =	wrdreg $0xFFFFFFFF  }
0xa7: {  	s28 =	simm.s32 $_size_execute0_lowered;
	s3 =	sadd.s32 s3, s5;
	[dreg:$0x0] =	wrdreg $0x0  }
0xa8: {  	s5 =	sshll.u32 s28, $0x1;
	[dreg:$0x2] =	wrdreg s3  }
0xa9: {  	[dreg:$0x3] =	wrdreg s5  }
0xaa: {  	[dreg:$0x4] =	wrdreg $0xC0  }
0xab: {  	_ =	task [dreg:s7], $0x5FFFF  }
0xac: {  	[dreg:$0x1] =	wrdreg $0xFFFFFFFF  }
0xad: {  	[dreg:$0x0] =	wrdreg $0x60  }
0xae: {  	[dreg:$0x2] =	wrdreg s2  }
0xaf: {  	[dreg:$0x3] =	wrdreg s24  }
0xb0: {  	[dreg:$0x4] =	wrdreg $0xBE000  }
0xb1: {  	[dreg:$0x5] =	wrdreg $0x9  }
0xb2: {  	_ =	task.clear_ibuf [dreg:s7], $0x6FFFF;
	_ =	strace $0x90000049  }
0xb3: {  	s29 =	simm.s32 $0x9;
	_ =	strace $0x8000004B  }
0xb4: {  	_ =	swait.ge [sflag:s29], $0x1  }
0xb5: {  	[sflag:s29] =	ssyncadd.s32 $0xFFFFFFFF  }
0xb6: {  	_ =	strace $0x9000004B  }
0xb7: {  	_ =	sfence  }
0xb8: {  	s30 =	sld [smem:$0x0];
	_ =	sdelay $0x2  }
0xb9: {  	s31 =	sshll.u32 s1, $0xD;
	s1 =	sshrl.u32 s1, $0x2  }
0xba: {  	s3 =	sand.u32 $0x4000, s31;
	s1 =	sadd.s32 s1, s30  }
0xbb: {  	s0 =	sor.u32 s3, s0;
	s1 =	sshll.u32 s1, $0x11  }
0xbc: {  	s0 =	sor.u32 s1, s0  }
0xbd: {  	s0 =	sadd.s32 $0x8F2B, s0  }
0xbe: {  	[sflag:s0] =	ssyncadd.remote.s32 $0x1  }
0xbf: {  	_ =	sfence.sel $0xFFFF  }
0xc0: {  	[dreg:$0x0] =	wrdreg $0xFFFFFFFF;
	(pc) =	sbr.abs _section_cstart, $3  }
0xc1: {  	[dreg:$0x1] =	wrdreg $0xFFFFFFFF  }
0xc2: {  	_ =	task.clear_ibuf [dreg:s7], $0x2FFFF;
	_ =	strace $0x9FFFFFFF  }
0xc3: {  	(tm) =	ssettm $0x7FFFFFFF  }
tec
execute0_lowered:
.L_overlay_start_1:
0x0: {  	(tag) =	ssettag $0x1  }
0x1: {  	s0 =	rddreg [dreg:$0x0]  }
0x2: {  	s2 =	rddreg [dreg:$0x1];
	s1 =	srdreg.scid  }
0x3: {  	s3 =	rddreg [dreg:$0x2];
	s13 =	stileid.u32  }
0x4: {  	s4 =	simm.s32 $0x0;
	s28 =	simm.s32 $0x2;
	s29 =	simm.s32 $0x4  }
0x5: {  	s30 =	simm.s32 $0x5;
	s31 =	simm.s32 $0x6;
	s6 =	smul.u32 $0x13C00, s13  }
0x6: {  	s1 =	sand.u32 $0x1, s1;
	[smem:$0x7FF] =	sst s4;
	s8 =	smul.u32 $0x4F000, s13  }
0x7: {  	s7 =	sadd.s32 $0xD000, s2;
	s9 =	sadd.s32 $0x3000, s2;
	s12 =	smul.u32 $0x1400, s13  }
0x8: {  	s22 =	sadd.s32 $0x3E200, s2;
	s24 =	sshll.u32 s13, $0x6;
	s26 =	smul.u32 $0x780, s13  }
0x9: {  	s5 =	smul.u32 $0x13C000, s1;
	_ =	strace $0x8000004A;
	[dreg:$0xb] =	wrdreg s22  }
0xa: {  	s23 =	ssub.s32 $0x2, s1;
	p0 =	seq.s32 s1, $0x0;
	s10 =	smul.u32 $0x780, s1  }
0xb: {  	s11 =	sshrl.u32 s23, $0x1;
	s8 =	sshrl.u32 s8, $0x2;
	s25 =	sshrl.u32 s12, $0x3  }
0xc: {  	s5 =	sadd.s32 s6, s5;
	s6 =	simm.s32 $0x78;
	s8 =	sadd.s32 s8, s3  }
0xd: {  	s5 =	sshrl.u32 s5, $0x3;
	s6 =	simm.s32 @!p0 $0x28;
	[dreg:$0xc] =	wrdreg s8  }
0xe: {  	s8 =	sor.u32 $0x1C07, s24;
	p0 =	sne.s32 s1, $0x0;
	s2 =	sadd.s32 s5, s2  }
0xf: {  	s5 =	ssub.s32 s23, s11;
	s11 =	sadd.s32 s7, s25;
	s7 =	sadd.s32 s7, s26  }
0x10: {  	s14 =	smul.u32 s13, s6;
	s18 =	sadd.s32 $0xFFFFFFF9, s6;
	[dreg:$0xe] =	wrdreg s7  }
0x11: {  	s13 =	smul.u32 $0x3C000, s1;
	s20 =	sshll.u32 s6, $0x4;
	[dreg:$0x5] =	wrdreg s18  }
0x12: {  	s1 =	simm.s32 $0x0;
	s11 =	sadd.s32 $0x7800, s11;
	[dreg:$0x6] =	wrdreg s20  }
0x13: {  	s18 =	simm.s32 $0x3C00;
	s20 =	simm.s32 $0x3D00;
	s10 =	sadd.s32 s10, s14  }
0x14: {  	[dreg:$0xd] =	wrdreg s11;
	s16 =	sshll.u32 s14, $0x7;
	s10 =	sshll.u32 s10, $0x4  }
0x15: {  	s7 =	sadd.s32 s13, s16;
	s16 =	smax.u32 s5, $0x1;
	s11 =	sadd.s32 s9, s10  }
0x16: {  	s19 =	sor.u32 $0x280, s7;
	s22 =	sor.u32 $0x380, s7;
	s24 =	sor.u32 $0x300, s7  }
0x17: {  	s7 =	sor.u32 $0x200, s7;
	s10 =	sadd.s32 $0x10, s11;
	s15 =	sadd.s32 $0x20, s11  }
0x18: {  	s17 =	sadd.s32 $0x30, s11;
	s23 =	sshrl.u32 s22, $0x3;
	[dreg:$0xf] =	wrdreg s10  }
0x19: {  	s7 =	sshrl.u32 s7, $0x3;
	s22 =	simm.s32 $0x80;
	[dreg:$0x10] =	wrdreg s15  }
0x1a: {  	[dreg:$0x11] =	wrdreg s17;
	s15 =	sadd.s32 $0xFFFFFFFA, s6;
	s10 =	sadd.s32 s23, s9  }
0x1b: {  	s26 =	sadd.s32 s7, s9;
	s17 =	simm.s32 $0x7;
	[dreg:$0x4] =	wrdreg s15  }
0x1c: {  	s23 =	simm.s32 $0x3E00;
	s15 =	sshrl.u32 s19, $0x3;
	[dreg:$0x8] =	wrdreg s10  }
0x1d: {  	[dreg:$0xa] =	wrdreg s26;
	s19 =	simm.s32 $0x3C80;
	s26 =	simm.s32 $0x3  }
0x1e: {  	s21 =	sadd.s32 s15, s9;
	s15 =	sshrl.u32 s24, $0x3;
	s24 =	simm.s32 $0x7E00  }
0x1f: {  	[dreg:$0x7] =	wrdreg s21;
	s25 =	sadd.s32 s15, s9;
	s15 =	sadd.s32 $0x40A00, s2  }
0x20: {  	s21 =	simm.s32 $0x3D80;
	[dreg:$0x9] =	wrdreg s25;
	s25 =	simm.s32 $0x1  }
.LBB2_1:
0x21: {  	s2 =	rddreg [dreg:$0xc]  }
0x22: {  	s5 =	rddreg [dreg:$0xb];
	s2 =	sshrl.u32 s2, $0x3  }
0x23: {  	[spmem:s2], [sflag:s8] =	dma.local [hbm:s5], $0x2780  }
0x24: {  	_ =	swait.ge [sflag:s17], $0x2780  }
0x25: {  	[sflag:s17] =	ssyncset.done $0x0  }
0x26: {  	s5 =	simm.s32 @p0 $0x0;
	s7 =	rddreg [dreg:$0xd];
	[sflag:s17] =	ssyncadd.s32 $0xFFFFD880  }
0x27: {  	[tilespmem:s5], [sflag:$0x7] =	stream.linear.gather @p0 [hbm4b:s7+s5], $0x1400, $0x38;
	[tilespmem:$0x1FA00] =	vst v63  }
0x28: {  	s5 =	simm.s32 @p0 $0x7  }
0x29: {  	_ =	swait.ge @p0 [sflag:s5], $0x1400  }
0x2a: {  	[sflag:s5] =	ssyncset.done @p0 $0x0  }
0x2b: {  	s7 =	rddreg [dreg:$0xe];
	[sflag:s5] =	ssyncadd.s32 @p0 $0xFFFFEC00;
	s5 =	simm.s32 @!p0 $0x0  }
0x2c: {  	[tilespmem:s5], [sflag:$0x7] =	stream.linear.gather @!p0 [hbm4b:s7+s5], $0x3C00, $0x38;
	[tilespmem:$0x1FA00] =	vst v63  }
0x2d: {  	s5 =	simm.s32 @!p0 $0x7  }
0x2e: {  	_ =	swait.ge @!p0 [sflag:s5], $0x3C00  }
0x2f: {  	[sflag:s5] =	ssyncset.done @!p0 $0x0  }
0x30: {  	[sflag:s5] =	ssyncadd.s32 @!p0 $0xFFFFC400  }
0x31: {  	[bflag:$0x0] =	sbarrier.arrive $0xFFFF  }
0x32: {  	[tilespmem:s18], [sflag:$0x3] =	stream.linear.gather [hbm4b:s11+s4], $0x80, $0x38;
	[tilespmem:$0x1FA00] =	vst v63  }
0x33: {  	s12 =	rddreg [dreg:$0xf]  }
0x34: {  	[tilespmem:s19], [sflag:$0x4] =	stream.linear.gather [hbm4b:s12+s4], $0x80, $0x38;
	[tilespmem:$0x1FA00] =	vst v63  }
0x35: {  	s13 =	rddreg [dreg:$0x10]  }
0x36: {  	[tilespmem:s20], [sflag:$0x5] =	stream.linear.gather [hbm4b:s13+s4], $0x80, $0x38;
	[tilespmem:$0x1FA00] =	vst v63  }
0x37: {  	s14 =	rddreg [dreg:$0x11]  }
0x38: {  	[tilespmem:s21], [sflag:$0x6] =	stream.linear.gather [hbm4b:s14+s4], $0x80, $0x38;
	[tilespmem:$0x1FA00] =	vst v63  }
0x39: {  	_ = 	snop  }
0x3a: {  	[tilespmem:s23], [sflag:$0x1] =	stream.indirect.gather [hbm4b:s0+s22], $0x80, s4, s22, $0xb8;
	[tilespmem:$0x1FA00] =	vst v63  }
0x3b: {  	s9 =	simm.s32 $0x0;
	s7 =	simm.s32 $0x0;
	s5 =	simm.s32 $0x180  }
0x3c: {  	[tilespmem:s24], [sflag:$0x2] =	stream.indirect.gather [hbm4b:s0+s22], $0x80, s22, s22, $0xb8;
	[tilespmem:$0x1FA00] =	vst v63  }
.LBB2_2:
0x3d: {  	_ =	swait.ge [sflag:s25], $0x4000  }
0x3e: {  	[sflag:s25] =	ssyncset.done $0x0  }
0x3f: {  	[sflag:s25] =	ssyncadd.s32 $0xFFFFC000  }
0x40: {  	_ =	swait.ge [sflag:s26], $0x80  }
0x41: {  	[sflag:s26] =	ssyncset.done $0x0  }
0x42: {  	s10 =	sadd.s32 $0x4, s9;
	[sflag:s26] =	ssyncadd.s32 $0xFFFFFF80  }
0x43: {  	[spmem:s3] =	stream.indirect.scatter.add.f32 [tilespmem:s23], [sflag:$0x7], $0x80, s18, s22, $0xb8;
	[tilespmem:$0x1FA00] =	vst v63  }
0x44: {  	p1 =	sge.u32 s10, s6;
	_ =	swait.ge [sflag:s17], $0x4000  }
0x45: {  	s13 =	simm.s32 @!p1 $0x0;
	s12 =	rddreg [dreg:$0xa];
	[sflag:s17] =	ssyncset.done $0x0  }
0x46: {  	s14 =	simm.s32 @!p1 $0x3C00;
	[sflag:s17] =	ssyncadd.s32 $0xFFFFC000;
	s12 =	sadd.s32 @!p1 s7, s12  }
0x47: {  	[tilespmem:s14], [sflag:$0x3] =	stream.linear.gather @!p1 [hbm4b:s12+s13], $0x80, $0x38;
	[tilespmem:$0x1FA00] =	vst v63  }
0x48: {  	s13 =	sadd.s32 $0x2, s9  }
0x49: {  	p2 =	sge.u32 s13, s6  }
0x4a: {  	s12 =	sadd.s32 @!p2 $0xFFFFFF80, s5;
	s13 =	simm.s32 @!p2 $0x80;
	s14 =	simm.s32 @!p2 $0x3E00  }
0x4b: {  	[tilespmem:s14], [sflag:$0x1] =	stream.indirect.gather @!p2 [hbm4b:s0+s13], $0x80, s12, s13, $0xb8;
	[tilespmem:$0x1FA00] =	vst v63  }
0x4c: {  	_ =	swait.ge [sflag:s28], $0x4000  }
0x4d: {  	[sflag:s28] =	ssyncset.done $0x0  }
0x4e: {  	[sflag:s28] =	ssyncadd.s32 $0xFFFFC000  }
0x4f: {  	_ =	swait.ge [sflag:s29], $0x80  }
0x50: {  	[sflag:s29] =	ssyncset.done $0x0  }
0x51: {  	s14 =	sadd.s32 $0x5, s9;
	[sflag:s29] =	ssyncadd.s32 $0xFFFFFF80  }
0x52: {  	[spmem:s3] =	stream.indirect.scatter.add.f32 [tilespmem:s24], [sflag:$0x7], $0x80, s19, s22, $0xb8;
	[tilespmem:$0x1FA00] =	vst v63  }
0x53: {  	p2 =	sge.u32 s14, s6;
	_ =	swait.ge [sflag:s17], $0x4000  }
0x54: {  	s13 =	simm.s32 @!p2 $0x0;
	s12 =	rddreg [dreg:$0x7];
	[sflag:s17] =	ssyncset.done $0x0  }
0x55: {  	s14 =	simm.s32 @!p2 $0x3C80;
	[sflag:s17] =	ssyncadd.s32 $0xFFFFC000;
	s12 =	sadd.s32 @!p2 s7, s12  }
0x56: {  	[tilespmem:s14], [sflag:$0x4] =	stream.linear.gather @!p2 [hbm4b:s12+s13], $0x80, $0x38;
	[tilespmem:$0x1FA00] =	vst v63  }
0x57: {  	s13 =	sadd.s32 $0x3, s9  }
0x58: {  	p3 =	sge.u32 s13, s6  }
0x59: {  	s12 =	simm.s32 @!p3 $0x80;
	s13 =	simm.s32 @!p3 $0x7E00  }
0x5a: {  	[tilespmem:s13], [sflag:$0x2] =	stream.indirect.gather @!p3 [hbm4b:s0+s12], $0x80, s5, s12, $0xb8;
	[tilespmem:$0x1FA00] =	vst v63  }
0x5b: {  	_ =	swait.ge [sflag:s25], $0x4000  }
0x5c: {  	[sflag:s25] =	ssyncset.done $0x0  }
0x5d: {  	[sflag:s25] =	ssyncadd.s32 $0xFFFFC000  }
0x5e: {  	_ =	swait.ge [sflag:s30], $0x80  }
0x5f: {  	[sflag:s30] =	ssyncset.done $0x0  }
0x60: {  	[sflag:s30] =	ssyncadd.s32 $0xFFFFFF80  }
0x61: {  	[spmem:s3] =	stream.indirect.scatter.add.f32 [tilespmem:s23], [sflag:$0x7], $0x80, s20, s22, $0xb8;
	[tilespmem:$0x1FA00] =	vst v63  }
0x62: {  	_ =	swait.ge [sflag:s17], $0x4000  }
0x63: {  	s14 =	rddreg [dreg:$0x4];
	[sflag:s17] =	ssyncset.done $0x0  }
0x64: {  	s13 =	rddreg [dreg:$0x9];
	[sflag:s17] =	ssyncadd.s32 $0xFFFFC000;
	p3 =	sge.u32 s9, s14  }
0x65: {  	s12 =	sadd.s32 @!p3 s7, s13;
	s13 =	simm.s32 @!p3 $0x0;
	s14 =	simm.s32 @!p3 $0x3D00  }
0x66: {  	[tilespmem:s14], [sflag:$0x5] =	stream.linear.gather @!p3 [hbm4b:s12+s13], $0x80, $0x38;
	[tilespmem:$0x1FA00] =	vst v63  }
0x67: {  	s12 =	sadd.s32 @!p1 $0x80, s5;
	s13 =	simm.s32 @!p1 $0x80;
	s14 =	simm.s32 @!p1 $0x3E00  }
0x68: {  	[tilespmem:s14], [sflag:$0x1] =	stream.indirect.gather @!p1 [hbm4b:s0+s13], $0x80, s12, s13, $0xb8;
	[tilespmem:$0x1FA00] =	vst v63  }
0x69: {  	_ =	swait.ge [sflag:s28], $0x4000  }
0x6a: {  	[sflag:s28] =	ssyncset.done $0x0  }
0x6b: {  	[sflag:s28] =	ssyncadd.s32 $0xFFFFC000  }
0x6c: {  	_ =	swait.ge [sflag:s31], $0x80  }
0x6d: {  	[sflag:s31] =	ssyncset.done $0x0  }
0x6e: {  	[sflag:s31] =	ssyncadd.s32 $0xFFFFFF80  }
0x6f: {  	[spmem:s3] =	stream.indirect.scatter.add.f32 [tilespmem:s24], [sflag:$0x7], $0x80, s21, s22, $0xb8;
	[tilespmem:$0x1FA00] =	vst v63  }
0x70: {  	_ =	swait.ge [sflag:s17], $0x4000  }
0x71: {  	s14 =	rddreg [dreg:$0x5]  }
0x72: {  	s13 =	rddreg [dreg:$0x8];
	[sflag:s17] =	ssyncset.done $0x0;
	p1 =	sge.u32 s9, s14  }
0x73: {  	[sflag:s17] =	ssyncadd.s32 $0xFFFFC000;
	s14 =	rddreg [dreg:$0x6];
	s9 =	sadd.s32 @!p1 s7, s13  }
0x74: {  	s12 =	simm.s32 @!p1 $0x0;
	s13 =	simm.s32 @!p1 $0x3D80;
	s7 =	sadd.s32 $0x40, s7  }
0x75: {  	[tilespmem:s13], [sflag:$0x6] =	stream.linear.gather @!p1 [hbm4b:s9+s12], $0x80, $0x38;
	[tilespmem:$0x1FA00] =	vst v63  }
0x76: {  	p1 =	sne.s32 s14, s7  }
.Ltmp0:
0x77: {  	_ = 	snop;
	(pc) =	sbr.rel @p1 .LBB2_2-.Ltmp0, $4  }
0x78: {  	_ = 	snop  }
0x79: {  	s9 =	sadd.s32 @!p2 $0x100, s5;
	s12 =	simm.s32 @!p2 $0x80;
	s13 =	simm.s32 @!p2 $0x7E00  }
0x7a: {  	[tilespmem:s13], [sflag:$0x2] =	stream.indirect.gather @!p2 [hbm4b:s0+s12], $0x80, s9, s12, $0xb8;
	[tilespmem:$0x1FA00] =	vst v63  }
0x7b: {  	s5 =	sadd.s32 $0x200, s5;
	s9 =	smov.u32 s10  }
0x7c: {  	s1 =	sadd.s32 $0x1, s1  }
0x7d: {  	p1 =	sne.s32 s1, s16  }
.Ltmp1:
0x7e: {  	[bflag:$0x0] =	sbarrier.arrive $0xFFFF;
	(pc) =	sbr.rel @p1 .LBB2_1-.Ltmp1, $4  }
0x7f: {  	[hbm:s15], [sflag:s8] =	dma.local [spmem:s2], $0x2780  }
0x80: {  	_ =	swait.ge [sflag:s17], $0x2780  }
0x81: {  	[sflag:s17] =	ssyncset.done $0x0  }
0x82: {  	[sflag:s17] =	ssyncadd.s32 $0xFFFFD880  }
0x83: {  	_ =	sfence.sel $0x180000  }
0x84: {  	[bflag:$0x0] =	sbarrier.arrive $0xFFFF  }
0x85: {  	_ =	strace $0x9000004A  }
0x86: {  	s0 =	stileid.u32;
	[bflag:$0x2] =	sbarrier.arrive $0xFFFF  }
0x87: {  	p0 =	sne.s32 s0, $0x0;
	s0 =	rddreg [dreg:$0x3]  }
0x88: {  	s0 =	sadd.s32 @!p0 $0x100000, s0  }
0x89: {  	[sflag:s0] =	ssyncadd.tile.s32 @!p0 $0x1;
	_ =	shalt  }
.Lfunc_end2:
_tile_overlayer_lowered:
.L_overlay_start_2:
0x8a: {  	(tag) =	ssettag $0x2  }
0x8b: {  	s0 =	rddreg [dreg:$0x0];
	s2 =	stileid.u32  }
0x8c: {  	s1 =	rddreg [dreg:$0x1];
	p0 =	sne.s32 s2, $0x0  }
0x8d: {  	s3 =	rddreg [dreg:$0x2];
	[bflag:$0x3] =	sbarrier.arrive $0xFFFF;
	s2 =	simm.s32 @!p0 $0x1C07  }
0x8e: {  	[timem:s3], [sflag:s2] =	dma.local @!p0 [hbm:s0], s1  }
0x8f: {  	s0 =	simm.s32 @!p0 $0x7  }
0x90: {  	_ =	swait.ge @!p0 [sflag:s0], s1  }
0x91: {  	s1 =	ssub.s32 @!p0 $0x0, s1;
	[sflag:s0] =	ssyncset.done @!p0 $0x0  }
0x92: {  	[sflag:s0] =	ssyncadd.s32 @!p0 s1  }
0x93: {  	[bflag:$0x3] =	sbarrier.arrive $0xFFFF  }
0x94: {  	_ =	shalt  }

</sc_bundles>
